<compile_context>
chip_gen: v7x
topology: tpu7x:2x2x1
jax: 0.10.2.dev20260603
libtpu: 0.0.44.dev20260713+nightly
codegen_flags: <defaults>
</compile_context>

<pallas_src>
import functools

import jax
import jax.numpy as jnp
import numpy as np
from jax import lax
from jax.experimental import pallas as pl
from jax.experimental.pallas import tpu as pltpu
from jax.experimental.pallas import tpu_sc as plsc

NUM_LEVELS = 16
F = 2
T = 2 ** 19
BASE_RES = 16.0
PER_LEVEL_SCALE = float(np.exp(np.log(4096.0 / 16.0) / (NUM_LEVELS - 1)))
RES = [float(np.floor(BASE_RES * (PER_LEVEL_SCALE ** l))) for l in range(NUM_LEVELS)]
P1 = np.uint32(2654435761)
P2 = np.uint32(805459861)
MASK = np.uint32(T - 1)
CHANNELS = 3
INTERNAL = 32
N_POINTS = 1048576

NC = 2
NS = 16
NW = NC * NS
NPW = N_POINTS // NW
C = 2048
NCHUNK = NPW // C
G = C // 16
TS = T // NS


def _worker_id():
    return lax.axis_index("s") * NC + lax.axis_index("c")


def _subcore_id():
    return lax.axis_index("s")


def _fire(spm, idxs, fbuf, sem):
    pltpu.async_copy(spm.at[idxs.at[0, 0]], fbuf, sem)


def _drain(spm, idxs, fbuf, sem):
    pltpu.make_async_copy(spm.at[idxs.at[0, 0]], fbuf, sem).wait()


def _stage(table_hbm, spm, l, sid):
    pltpu.sync_copy(table_hbm.at[pl.ds(l * T + sid * TS, TS)],
                    spm.at[pl.ds(sid * TS, TS)])


def _barrier():
    plsc.subcore_barrier()


def _encode_body(x_hbm, y_hbm, z_hbm, table_hbm, res_hbm, penc_hbm,
                 xn, yn, zn, resv,
                 wbufs0, wbufs1, idxs0, idxs1,
                 fba, fbb, fpair, spm0, semA, semB):
    wid = _worker_id()
    sid = _subcore_id()
    pltpu.sync_copy(res_hbm, resv)
    wsets = (wbufs0, wbufs1)
    isets = (idxs0, idxs1)
    fsets = ((fba, semA), (fbb, semB))

    def load_coords(ci):
        base = wid * NPW + ci * C
        pltpu.sync_copy(x_hbm.at[pl.ds(base, C)], xn)
        pltpu.sync_copy(y_hbm.at[pl.ds(base, C)], yn)
        pltpu.sync_copy(z_hbm.at[pl.ds(base, C)], zn)

    def hash_pass(res, sel):
        wb = wsets[sel]
        ib = isets[sel]

        def hash_g(g, c2, res=res):
            s = g * 16
            px = xn[pl.ds(s, 16)] * res
            py = yn[pl.ds(s, 16)] * res
            pz = zn[pl.ds(s, 16)] * res
            ix = px.astype(jnp.int32)
            iy = py.astype(jnp.int32)
            iz = pz.astype(jnp.int32)
            wb[0, pl.ds(s, 16)] = px - ix.astype(jnp.float32)
            wb[1, pl.ds(s, 16)] = py - iy.astype(jnp.float32)
            wb[2, pl.ds(s, 16)] = pz - iz.astype(jnp.float32)
            ux = ix.astype(jnp.uint32)
            uy = iy.astype(jnp.uint32) * P1
            uz = iz.astype(jnp.uint32) * P2
            hx = (ux, ux + np.uint32(1))
            hy = (uy, uy + P1)
            hz = (uz, uz + P2)
            c = 0
            for i in range(2):
                for j in range(2):
                    for k in range(2):
                        i0 = ((hx[i] ^ hy[j] ^ hz[k]) & MASK).astype(jnp.int32)
                        ib[0, 0, pl.ds(c * C + s, 16)] = i0
                        c += 1
            return c2

        lax.fori_loop(0, G, hash_g, 0)

    def interp_pass(sel):
        wb = wsets[sel]
        fbuf, _ = fsets[sel]

        def interp_g(g, c2):
            s = g * 16
            wxv = wb[0, pl.ds(s, 16)]
            wyv = wb[1, pl.ds(s, 16)]
            wzv = wb[2, pl.ds(s, 16)]
            f0c, f1c = [], []
            for c in range(8):
                p = lax.bitcast_convert_type(fbuf[pl.ds(c * C + s, 16)], jnp.uint32)
                f0c.append(lax.bitcast_convert_type(p << 16, jnp.float32))
                f1c.append(lax.bitcast_convert_type(p & np.uint32(0xFFFF0000),
                                                    jnp.float32))
            outs = []
            for fc in (f0c, f1c):
                t00 = fc[0] + wzv * (fc[1] - fc[0])
                t01 = fc[2] + wzv * (fc[3] - fc[2])
                t10 = fc[4] + wzv * (fc[5] - fc[4])
                t11 = fc[6] + wzv * (fc[7] - fc[6])
                u0 = t00 + wyv * (t01 - t00)
                u1 = t10 + wyv * (t11 - t10)
                outs.append(u0 + wxv * (u1 - u0))
            fpair[0, pl.ds(s, 16)] = outs[0]
            fpair[1, pl.ds(s, 16)] = outs[1]
            return c2

        lax.fori_loop(0, G, interp_g, 0)

    def level_body(l, carry):
        spm = spm0
        _stage(table_hbm, spm, l, sid)
        _barrier()
        res = resv[l, pl.ds(0, 16)]

        def finish_chunk(ci, sel):
            _drain(spm, isets[sel], fsets[sel][0], fsets[sel][1])
            interp_pass(sel)
            base = wid * NPW + ci * C
            pltpu.sync_copy(fpair, penc_hbm.at[pl.ds(2 * l, 2), pl.ds(base, C)])

        def start_chunk(ci, sel):
            load_coords(ci)
            hash_pass(res, sel)
            _fire(spm, isets[sel], fsets[sel][0], fsets[sel][1])

        start_chunk(0, 0)

        def chunk_pair(i, c2):
            ci0 = 2 * i
            ci1 = ci0 + 1
            start_chunk(ci1, 1)
            finish_chunk(ci0, 0)

            @pl.when(ci1 + 1 < NCHUNK)
            def _():
                start_chunk(ci1 + 1, 0)

            finish_chunk(ci1, 1)
            return c2

        lax.fori_loop(0, NCHUNK // 2, chunk_pair, 0)
        _barrier()
        return carry

    lax.fori_loop(0, NUM_LEVELS, level_body, 0)


def _encode(xs, ys, zs, table_flat):
    mesh = plsc.VectorSubcoreMesh(core_axis_name="c", subcore_axis_name="s",
                                  num_cores=NC, num_subcores=NS)
    return pl.kernel(
        _encode_body,
        out_type=jax.ShapeDtypeStruct((NUM_LEVELS * F, N_POINTS), jnp.float32),
        mesh=mesh,
        scratch_types=[
            pltpu.VMEM((C,), jnp.float32),
            pltpu.VMEM((C,), jnp.float32),
            pltpu.VMEM((C,), jnp.float32),
            pltpu.VMEM((16, 16), jnp.float32),
            pltpu.VMEM((3, C), jnp.float32),
            pltpu.VMEM((3, C), jnp.float32),
            pltpu.VMEM((1, 1, 8 * C), jnp.int32),
            pltpu.VMEM((1, 1, 8 * C), jnp.int32),
            pltpu.VMEM((8 * C,), jnp.float32),
            pltpu.VMEM((8 * C,), jnp.float32),
            pltpu.VMEM((2, C), jnp.float32),
            pltpu.VMEM_SHARED((T,), jnp.float32),
            pltpu.SemaphoreType.DMA,
            pltpu.SemaphoreType.DMA,
        ],
    )(xs, ys, zs, table_flat,
      jnp.asarray(np.tile(np.array(RES, dtype=np.float32)[:, None], (1, 16))))


NB = 8192


def _split_body(t_ref, x_ref, y_ref, z_ref):
    t = t_ref[...]
    tn = jnp.clip((t + 1.0) * 0.5, 0.0, 1.0)
    tt = tn.T
    x_ref[...] = tt[0, :]
    y_ref[...] = tt[1, :]
    z_ref[...] = tt[2, :]


def _split(texc2):
    grid = (N_POINTS // NB,)
    out = jax.ShapeDtypeStruct((N_POINTS,), jnp.float32)
    return pl.pallas_call(
        _split_body,
        grid=grid,
        in_specs=[pl.BlockSpec((NB, 3), lambda i: (i, 0))],
        out_specs=[pl.BlockSpec((NB,), lambda i: (i,))] * 3,
        out_shape=[out, out, out],
    )(texc2)


def _mlp_body(x_ref, w1_ref, w2_ref, w3_ref, o_ref):
    x = x_ref[...]
    h = jnp.maximum(jnp.dot(w1_ref[...], x, preferred_element_type=jnp.float32), 0.0)
    h = jnp.maximum(jnp.dot(w2_ref[...], h, preferred_element_type=jnp.float32), 0.0)
    z = jnp.dot(w3_ref[...], h, preferred_element_type=jnp.float32)
    o_ref[...] = jax.nn.sigmoid(z).T


def _mlp(pencT, W1, W2, W3):
    grid = (N_POINTS // NB,)
    return pl.pallas_call(
        _mlp_body,
        grid=grid,
        in_specs=[
            pl.BlockSpec((NUM_LEVELS * F, NB), lambda i: (0, i)),
            pl.BlockSpec((INTERNAL, NUM_LEVELS * F), lambda i: (0, 0)),
            pl.BlockSpec((INTERNAL, INTERNAL), lambda i: (0, 0)),
            pl.BlockSpec((CHANNELS, INTERNAL), lambda i: (0, 0)),
        ],
        out_specs=pl.BlockSpec((NB, CHANNELS), lambda i: (i, 0)),
        out_shape=jax.ShapeDtypeStruct((N_POINTS, CHANNELS), jnp.float32),
    )(pencT, W1, W2, W3)


def kernel(texc, hash_table, W1, W2, W3):
    lead_shape = texc.shape[:-1]
    texc2 = texc.reshape(-1, 3)
    table_flat = lax.bitcast_convert_type(
        hash_table.astype(jnp.bfloat16).reshape(NUM_LEVELS * T, F),
        jnp.float32)
    xs, ys, zs = _split(texc2)
    pencT = _encode(xs, ys, zs, table_flat)
    out = _mlp(pencT, W1, W2, W3)
    return out.reshape(lead_shape + (CHANNELS,))

# --- scband reference (transcript-rebuilt; emitter-appended) ---
"""Pipeline reference for scband-mlptexture3-d-24421184045515 (READ-ONLY COPY).

The authoritative reference and input builder live on the scoring server;
editing this copy changes nothing except your own understanding.
"""

import jax, jax.numpy as jnp
import numpy as np

NUM_LEVELS = 16
F = 2
T = 2 ** 19
BASE_RES = 16.0
PER_LEVEL_SCALE = float(np.exp(np.log(4096.0 / 16.0) / (NUM_LEVELS - 1)))
CHANNELS = 3
INTERNAL = 32
N_POINTS = 1048576
AABB = np.array([[-1.0, -1.0, -1.0], [1.0, 1.0, 1.0]], dtype=np.float32)
MIN_MAX = np.array([[0.0, 0.0, 0.0], [1.0, 1.0, 1.0]], dtype=np.float32)
PRIMES = np.array([1, 2654435761, 805459861], dtype=np.uint32)
CORNERS = np.array([[i, j, k] for i in (0, 1) for j in (0, 1) for k in (0, 1)], dtype=np.int32)  # [8,3]
CORNERS_B = CORNERS.astype(np.bool_)


def _hash(coords):
    # coords: int32 [N, 8, 3] -> hashed indices int32 [N, 8]
    c = coords.astype(jnp.uint32)
    h = (c[..., 0] * jnp.uint32(int(PRIMES[0]))) ^ (c[..., 1] * jnp.uint32(int(PRIMES[1]))) ^ (c[..., 2] * jnp.uint32(int(PRIMES[2])))
    return (h & jnp.uint32(T - 1)).astype(jnp.int32)


def hash_encode(x, table):
    # x: [N,3] in [0,1]; table: [NUM_LEVELS, T, F]
    feats = []
    for l in range(NUM_LEVELS):
        res = float(np.floor(BASE_RES * (PER_LEVEL_SCALE ** l)))
        pos = x * res
        pos0 = jnp.floor(pos)
        w = pos - pos0                                  # [N,3] trilinear weights
        pos0i = pos0.astype(jnp.int32)
        corner = pos0i[:, None, :] + jnp.asarray(CORNERS)[None, :, :]   # [N,8,3]
        idx = _hash(corner)                             # [N,8] -- SparseCore-style gather indices
        cf = jnp.take(table[l], idx, axis=0)            # [N,8,F] gather from hash table
        cw = jnp.prod(jnp.where(jnp.asarray(CORNERS_B)[None, :, :], w[:, None, :], 1.0 - w[:, None, :]), axis=-1)  # [N,8]
        feats.append(jnp.sum(cf * cw[..., None], axis=1))  # [N,F]
    return jnp.concatenate(feats, axis=-1)              # [N, NUM_LEVELS*F]


def setup_inputs(seed: int = 0) -> dict:
    key = jax.random.key(seed)
    k1, k2, k3, k4, k5 = jax.random.split(key, 5)
    texc = jax.random.uniform(k1, (N_POINTS, 3), dtype=jnp.float32)
    hash_table = jax.random.uniform(k2, (NUM_LEVELS, T, F), dtype=jnp.float32, minval=-1e-4, maxval=1e-4)
    n_in = NUM_LEVELS * F
    W1 = jax.random.normal(k3, (INTERNAL, n_in), dtype=jnp.float32) * np.sqrt(2.0 / n_in)
    W2 = jax.random.normal(k4, (INTERNAL, INTERNAL), dtype=jnp.float32) * np.sqrt(2.0 / INTERNAL)
    W3 = jax.random.normal(k5, (CHANNELS, INTERNAL), dtype=jnp.float32) * np.sqrt(2.0 / INTERNAL)
    return {"texc": texc, "hash_table": hash_table, "W1": W1, "W2": W2, "W3": W3}


def reference(texc, hash_table, W1, W2, W3):
    aabb = jnp.asarray(AABB)
    mn_mx = jnp.asarray(MIN_MAX)
    _texc = (texc.reshape(-1, 3) - aabb[0][None, :]) / (aabb[1] - aabb[0])[None, :]
    _texc = jnp.clip(_texc, 0.0, 1.0)
    p_enc = hash_encode(_texc, hash_table)
    h = jnp.maximum(p_enc @ W1.T, 0.0)
    h = jnp.maximum(h @ W2.T, 0.0)
    out = h @ W3.T
    out = jax.nn.sigmoid(out) * (mn_mx[1] - mn_mx[0])[None, :] + mn_mx[0][None, :]
    return out.reshape(texc.shape[:-1] + (CHANNELS,))

if __name__ == "__main__":
    import jax
    _d = setup_inputs()
    print(jax.jit(kernel)(*tuple(_d.values())))

</pallas_src>

<mosaic_0001>
#map = affine_map<(d0, d1) -> (0)>
#map1 = affine_map<(d0, d1) -> (0, 0)>
module attributes {stable_mosaic.version = 14 : i64} {
  func.func @_encode_body(%arg0: i32, %arg1: i32, %arg2: memref<1048576xf32, #tpu.memory_space<hbm>>, %arg3: memref<1048576xf32, #tpu.memory_space<hbm>>, %arg4: memref<1048576xf32, #tpu.memory_space<hbm>>, %arg5: memref<8388608xf32, #tpu.memory_space<hbm>>, %arg6: memref<16x16xf32, #tpu.memory_space<hbm>>, %arg7: memref<32x1048576xf32, #tpu.memory_space<hbm>>, %arg8: memref<2048xf32, #tpu.memory_space<vmem>>, %arg9: memref<2048xf32, #tpu.memory_space<vmem>>, %arg10: memref<2048xf32, #tpu.memory_space<vmem>>, %arg11: memref<16x16xf32, #tpu.memory_space<vmem>>, %arg12: memref<3x2048xf32, #tpu.memory_space<vmem>>, %arg13: memref<3x2048xf32, #tpu.memory_space<vmem>>, %arg14: memref<1x1x16384xi32, #tpu.memory_space<vmem>>, %arg15: memref<1x1x16384xi32, #tpu.memory_space<vmem>>, %arg16: memref<16384xf32, #tpu.memory_space<vmem>>, %arg17: memref<16384xf32, #tpu.memory_space<vmem>>, %arg18: memref<2x2048xf32, #tpu.memory_space<vmem>>, %arg19: memref<524288xf32, #tpu.memory_space<vmem_shared>>, %arg20: memref<!tpu.dma_semaphore, #tpu.memory_space<semaphore_mem>>, %arg21: memref<!tpu.dma_semaphore, #tpu.memory_space<semaphore_mem>>) attributes {dimension_semantics = [#tpu.dimension_semantics<core_parallel>, #tpu.dimension_semantics<subcore_parallel>], iteration_bounds = array<i64: 2, 16>, scalar_prefetch = 0 : i64, scratch_operands = 14 : i64, tpu.core_type = #tpu.core_type<sc_vector_subcore>, window_params = [{transform_indices = #map}, {transform_indices = #map}, {transform_indices = #map}, {transform_indices = #map}, {transform_indices = #map1}, {transform_indices = #map1}]} {
    %mul3A = arith.constant 2 : i32
    %mul3A_0 = arith.muli %arg1, %mul3A : i32
    %add3A = arith.addi %mul3A_0, %arg0 : i32
    "tpu.region"() ({
      %run_scoped3A = tpu.sem_alloc : memref<!tpu.dma_semaphore, #tpu.memory_space<semaphore_mem>>
      tpu.enqueue_dma source(%arg6 : memref<16x16xf32, #tpu.memory_space<hbm>>) target(%arg11 : memref<16x16xf32, #tpu.memory_space<vmem>>) target_semaphore(%run_scoped3A : memref<!tpu.dma_semaphore, #tpu.memory_space<semaphore_mem>>)
      tpu.wait_dma2 semaphore(%run_scoped3A : memref<!tpu.dma_semaphore, #tpu.memory_space<semaphore_mem>>) src(%arg6 : memref<16x16xf32, #tpu.memory_space<hbm>>) dst(%arg11 : memref<16x16xf32, #tpu.memory_space<vmem>>)
      tpu.yield
    }) : () -> ()
    %scan3A = arith.constant 0 : i32
    %scan3A_1 = arith.constant 0 : i32
    %scan3A_2 = arith.constant 16 : i32
    %scan3A_3 = arith.addi %scan3A_1, %scan3A_2 : i32
    %scan3A_4 = arith.constant 1 : i32
    scf.for %scan3A_6 = %scan3A_1 to %scan3A_3 step %scan3A_4  : i32 {
      %mul3A_7 = arith.constant 524288 : i32
      %mul3A_8 = arith.muli %scan3A_6, %mul3A_7 : i32
      %mul3A_9 = arith.constant 32768 : i32
      %mul3A_10 = arith.muli %arg1, %mul3A_9 : i32
      %add3A_11 = arith.addi %mul3A_8, %mul3A_10 : i32
      %mul3A_12 = arith.constant 32768 : i32
      %mul3A_13 = arith.muli %arg1, %mul3A_12 : i32
      "tpu.region"() ({
        %run_scoped3A = tpu.sem_alloc : memref<!tpu.dma_semaphore, #tpu.memory_space<semaphore_mem>>
        %dma_start3A_40 = tpu.memref_slice %arg19[%mul3A_13] : memref<524288xf32, #tpu.memory_space<vmem_shared>> -> memref<32768xf32, #tpu.memory_space<vmem_shared>>
        %dma_start3A_41 = tpu.memref_slice %arg5[%add3A_11] : memref<8388608xf32, #tpu.memory_space<hbm>> -> memref<32768xf32, #tpu.memory_space<hbm>>
        tpu.enqueue_dma source(%dma_start3A_41 : memref<32768xf32, #tpu.memory_space<hbm>>) target(%dma_start3A_40 : memref<32768xf32, #tpu.memory_space<vmem_shared>>) target_semaphore(%run_scoped3A : memref<!tpu.dma_semaphore, #tpu.memory_space<semaphore_mem>>)
        %dma_wait3A = tpu.memref_slice %arg19[%mul3A_13] : memref<524288xf32, #tpu.memory_space<vmem_shared>> -> memref<32768xf32, #tpu.memory_space<vmem_shared>>
        %dma_wait3A_42 = tpu.memref_slice %arg5[%add3A_11] : memref<8388608xf32, #tpu.memory_space<hbm>> -> memref<32768xf32, #tpu.memory_space<hbm>>
        tpu.wait_dma2 semaphore(%run_scoped3A : memref<!tpu.dma_semaphore, #tpu.memory_space<semaphore_mem>>) src(%dma_wait3A_42 : memref<32768xf32, #tpu.memory_space<hbm>>) dst(%dma_wait3A : memref<32768xf32, #tpu.memory_space<vmem_shared>>)
        tpu.yield
      }) : () -> ()
      %barrier3A = arith.constant 0 : index
      tpu.barrier barrier_id(%barrier3A)
      %get3A = arith.index_cast %scan3A_6 : i32 to index
      %get3A_14 = arith.constant 0 : index
      %get3A_15 = tpu.vector_load %arg11[%get3A, %get3A_14] {strides = array<i32>} : memref<16x16xf32, #tpu.memory_space<vmem>>, vector<1x16xf32>,
      %get3A_16 = vector.shape_cast %get3A_15 : vector<1x16xf32> to vector<16xf32>
      %mul3A_17 = arith.constant 32768 : i32
      %mul3A_18 = arith.muli %add3A, %mul3A_17 : i32
      %add3A_19 = arith.constant 0 : i32
      %add3A_20 = arith.addi %mul3A_18, %add3A_19 : i32
      "tpu.region"() ({
        %run_scoped3A = tpu.sem_alloc : memref<!tpu.dma_semaphore, #tpu.memory_space<semaphore_mem>>
        %dma_start3A_40 = tpu.memref_slice %arg2[%add3A_20] : memref<1048576xf32, #tpu.memory_space<hbm>> -> memref<2048xf32, #tpu.memory_space<hbm>>
        %dma_start3A_41 = tpu.memref_slice %arg2[%add3A_20] : memref<1048576xf32, #tpu.memory_space<hbm>> -> memref<2048xf32, #tpu.memory_space<hbm>>
        tpu.enqueue_dma source(%dma_start3A_41 : memref<2048xf32, #tpu.memory_space<hbm>>) target(%arg8 : memref<2048xf32, #tpu.memory_space<vmem>>) target_semaphore(%run_scoped3A : memref<!tpu.dma_semaphore, #tpu.memory_space<semaphore_mem>>)
        %dma_wait3A = tpu.memref_slice %arg2[%add3A_20] : memref<1048576xf32, #tpu.memory_space<hbm>> -> memref<2048xf32, #tpu.memory_space<hbm>>
        %dma_wait3A_42 = tpu.memref_slice %arg2[%add3A_20] : memref<1048576xf32, #tpu.memory_space<hbm>> -> memref<2048xf32, #tpu.memory_space<hbm>>
        tpu.wait_dma2 semaphore(%run_scoped3A : memref<!tpu.dma_semaphore, #tpu.memory_space<semaphore_mem>>) src(%dma_wait3A_42 : memref<2048xf32, #tpu.memory_space<hbm>>) dst(%arg8 : memref<2048xf32, #tpu.memory_space<vmem>>)
        tpu.yield
      }) : () -> ()
      "tpu.region"() ({
        %run_scoped3A = tpu.sem_alloc : memref<!tpu.dma_semaphore, #tpu.memory_space<semaphore_mem>>
        %dma_start3A_40 = tpu.memref_slice %arg3[%add3A_20] : memref<1048576xf32, #tpu.memory_space<hbm>> -> memref<2048xf32, #tpu.memory_space<hbm>>
        %dma_start3A_41 = tpu.memref_slice %arg3[%add3A_20] : memref<1048576xf32, #tpu.memory_space<hbm>> -> memref<2048xf32, #tpu.memory_space<hbm>>
        tpu.enqueue_dma source(%dma_start3A_41 : memref<2048xf32, #tpu.memory_space<hbm>>) target(%arg9 : memref<2048xf32, #tpu.memory_space<vmem>>) target_semaphore(%run_scoped3A : memref<!tpu.dma_semaphore, #tpu.memory_space<semaphore_mem>>)
        %dma_wait3A = tpu.memref_slice %arg3[%add3A_20] : memref<1048576xf32, #tpu.memory_space<hbm>> -> memref<2048xf32, #tpu.memory_space<hbm>>
        %dma_wait3A_42 = tpu.memref_slice %arg3[%add3A_20] : memref<1048576xf32, #tpu.memory_space<hbm>> -> memref<2048xf32, #tpu.memory_space<hbm>>
        tpu.wait_dma2 semaphore(%run_scoped3A : memref<!tpu.dma_semaphore, #tpu.memory_space<semaphore_mem>>) src(%dma_wait3A_42 : memref<2048xf32, #tpu.memory_space<hbm>>) dst(%arg9 : memref<2048xf32, #tpu.memory_space<vmem>>)
        tpu.yield
      }) : () -> ()
      "tpu.region"() ({
        %run_scoped3A = tpu.sem_alloc : memref<!tpu.dma_semaphore, #tpu.memory_space<semaphore_mem>>
        %dma_start3A_40 = tpu.memref_slice %arg4[%add3A_20] : memref<1048576xf32, #tpu.memory_space<hbm>> -> memref<2048xf32, #tpu.memory_space<hbm>>
        %dma_start3A_41 = tpu.memref_slice %arg4[%add3A_20] : memref<1048576xf32, #tpu.memory_space<hbm>> -> memref<2048xf32, #tpu.memory_space<hbm>>
        tpu.enqueue_dma source(%dma_start3A_41 : memref<2048xf32, #tpu.memory_space<hbm>>) target(%arg10 : memref<2048xf32, #tpu.memory_space<vmem>>) target_semaphore(%run_scoped3A : memref<!tpu.dma_semaphore, #tpu.memory_space<semaphore_mem>>)
        %dma_wait3A = tpu.memref_slice %arg4[%add3A_20] : memref<1048576xf32, #tpu.memory_space<hbm>> -> memref<2048xf32, #tpu.memory_space<hbm>>
        %dma_wait3A_42 = tpu.memref_slice %arg4[%add3A_20] : memref<1048576xf32, #tpu.memory_space<hbm>> -> memref<2048xf32, #tpu.memory_space<hbm>>
        tpu.wait_dma2 semaphore(%run_scoped3A : memref<!tpu.dma_semaphore, #tpu.memory_space<semaphore_mem>>) src(%dma_wait3A_42 : memref<2048xf32, #tpu.memory_space<hbm>>) dst(%arg10 : memref<2048xf32, #tpu.memory_space<vmem>>)
        tpu.yield
      }) : () -> ()
      %scan3A_21 = arith.constant 0 : i32
      %scan3A_22 = arith.constant 0 : i32
      %scan3A_23 = arith.constant 128 : i32
      %scan3A_24 = arith.addi %scan3A_22, %scan3A_23 : i32
      %scan3A_25 = arith.constant 1 : i32
      scf.for %scan3A_40 = %scan3A_22 to %scan3A_24 step %scan3A_25  : i32 {
        %mul3A_41 = arith.constant 16 : i32
        %mul3A_42 = arith.muli %scan3A_40, %mul3A_41 : i32
        %get3A_43 = arith.index_cast %mul3A_42 : i32 to index
        %get3A_44 = tpu.vector_load %arg8[%get3A_43] {strides = array<i32>} : memref<2048xf32, #tpu.memory_space<vmem>>, vector<16xf32>,
        %get3A_45 = vector.shape_cast %get3A_44 : vector<16xf32> to vector<16xf32>
        %mul3A_46 = arith.mulf %get3A_45, %get3A_16 : vector<16xf32>
        %get3A_47 = arith.index_cast %mul3A_42 : i32 to index
        %get3A_48 = tpu.vector_load %arg9[%get3A_47] {strides = array<i32>} : memref<2048xf32, #tpu.memory_space<vmem>>, vector<16xf32>,
        %get3A_49 = vector.shape_cast %get3A_48 : vector<16xf32> to vector<16xf32>
        %mul3A_50 = arith.mulf %get3A_49, %get3A_16 : vector<16xf32>
        %get3A_51 = arith.index_cast %mul3A_42 : i32 to index
        %get3A_52 = tpu.vector_load %arg10[%get3A_51] {strides = array<i32>} : memref<2048xf32, #tpu.memory_space<vmem>>, vector<16xf32>,
        %get3A_53 = vector.shape_cast %get3A_52 : vector<16xf32> to vector<16xf32>
        %mul3A_54 = arith.mulf %get3A_53, %get3A_16 : vector<16xf32>
        %convert_element_type3A = arith.fptosi %mul3A_46 : vector<16xf32> to vector<16xi32>
        %convert_element_type3A_55 = arith.fptosi %mul3A_50 : vector<16xf32> to vector<16xi32>
        %convert_element_type3A_56 = arith.fptosi %mul3A_54 : vector<16xf32> to vector<16xi32>
        %convert_element_type3A_57 = arith.sitofp %convert_element_type3A : vector<16xi32> to vector<16xf32>
        %sub3A = arith.subf %mul3A_46, %convert_element_type3A_57 : vector<16xf32>
        %swap3A = arith.constant 0 : i32
        %swap3A_58 = arith.index_cast %swap3A : i32 to index
        %swap3A_59 = arith.index_cast %mul3A_42 : i32 to index
        %swap3A_60 = tpu.vector_load %arg12[%swap3A_58, %swap3A_59] {strides = array<i32>} : memref<3x2048xf32, #tpu.memory_space<vmem>>, vector<1x16xf32>,
        %swap3A_61 = vector.shape_cast %swap3A_60 : vector<1x16xf32> to vector<16xf32>
        %swap3A_62 = vector.shape_cast %sub3A : vector<16xf32> to vector<1x16xf32>
        tpu.vector_store %arg12[%swap3A_58, %swap3A_59], %swap3A_62 {strides = array<i32>} : memref<3x2048xf32, #tpu.memory_space<vmem>>, vector<1x16xf32>,
        %convert_element_type3A_63 = arith.sitofp %convert_element_type3A_55 : vector<16xi32> to vector<16xf32>
        %sub3A_64 = arith.subf %mul3A_50, %convert_element_type3A_63 : vector<16xf32>
        %swap3A_65 = arith.constant 1 : i32
        %swap3A_66 = arith.index_cast %swap3A_65 : i32 to index
        %swap3A_67 = arith.index_cast %mul3A_42 : i32 to index
        %swap3A_68 = tpu.vector_load %arg12[%swap3A_66, %swap3A_67] {strides = array<i32>} : memref<3x2048xf32, #tpu.memory_space<vmem>>, vector<1x16xf32>,
        %swap3A_69 = vector.shape_cast %swap3A_68 : vector<1x16xf32> to vector<16xf32>
        %swap3A_70 = vector.shape_cast %sub3A_64 : vector<16xf32> to vector<1x16xf32>
        tpu.vector_store %arg12[%swap3A_66, %swap3A_67], %swap3A_70 {strides = array<i32>} : memref<3x2048xf32, #tpu.memory_space<vmem>>, vector<1x16xf32>,
        %convert_element_type3A_71 = arith.sitofp %convert_element_type3A_56 : vector<16xi32> to vector<16xf32>
        %sub3A_72 = arith.subf %mul3A_54, %convert_element_type3A_71 : vector<16xf32>
        %swap3A_73 = arith.constant 2 : i32
        %swap3A_74 = arith.index_cast %swap3A_73 : i32 to index
        %swap3A_75 = arith.index_cast %mul3A_42 : i32 to index
        %swap3A_76 = tpu.vector_load %arg12[%swap3A_74, %swap3A_75] {strides = array<i32>} : memref<3x2048xf32, #tpu.memory_space<vmem>>, vector<1x16xf32>,
        %swap3A_77 = vector.shape_cast %swap3A_76 : vector<1x16xf32> to vector<16xf32>
        %swap3A_78 = vector.shape_cast %sub3A_72 : vector<16xf32> to vector<1x16xf32>
        tpu.vector_store %arg12[%swap3A_74, %swap3A_75], %swap3A_78 {strides = array<i32>} : memref<3x2048xf32, #tpu.memory_space<vmem>>, vector<1x16xf32>,
        %mul3A_79 = arith.constant -1640531535 : i32
        %mul3A_80 = vector.broadcast %mul3A_79 : i32 to vector<16xi32>
        %mul3A_81 = arith.muli %convert_element_type3A_55, %mul3A_80 : vector<16xi32>
        %mul3A_82 = arith.constant 805459861 : i32
        %mul3A_83 = vector.broadcast %mul3A_82 : i32 to vector<16xi32>
        %mul3A_84 = arith.muli %convert_element_type3A_56, %mul3A_83 : vector<16xi32>
        %add3A_85 = arith.constant 1 : i32
        %add3A_86 = vector.broadcast %add3A_85 : i32 to vector<16xi32>
        %add3A_87 = arith.addi %convert_element_type3A, %add3A_86 : vector<16xi32>
        %add3A_88 = arith.constant -1640531535 : i32
        %add3A_89 = vector.broadcast %add3A_88 : i32 to vector<16xi32>
        %add3A_90 = arith.addi %mul3A_81, %add3A_89 : vector<16xi32>
        %add3A_91 = arith.constant 805459861 : i32
        %add3A_92 = vector.broadcast %add3A_91 : i32 to vector<16xi32>
        %add3A_93 = arith.addi %mul3A_84, %add3A_92 : vector<16xi32>
        %xor3A = arith.xori %convert_element_type3A, %mul3A_81 : vector<16xi32>
        %xor3A_94 = arith.xori %xor3A, %mul3A_84 : vector<16xi32>
        %and3A = arith.constant 524287 : i32
        %and3A_95 = vector.broadcast %and3A : i32 to vector<16xi32>
        %and3A_96 = arith.andi %xor3A_94, %and3A_95 : vector<16xi32>
        %add3A_97 = arith.constant 0 : i32
        %add3A_98 = arith.addi %add3A_97, %mul3A_42 : i32
        %swap3A_99 = arith.constant 0 : i32
        %swap3A_100 = arith.constant 0 : i32
        %swap3A_101 = arith.index_cast %swap3A_99 : i32 to index
        %swap3A_102 = arith.index_cast %swap3A_100 : i32 to index
        %swap3A_103 = arith.index_cast %add3A_98 : i32 to index
        %swap3A_104 = tpu.vector_load %arg14[%swap3A_101, %swap3A_102, %swap3A_103] {strides = array<i32>} : memref<1x1x16384xi32, #tpu.memory_space<vmem>>, vector<1x1x16xi32>,
        %swap3A_105 = vector.shape_cast %swap3A_104 : vector<1x1x16xi32> to vector<16xi32>
        %swap3A_106 = vector.shape_cast %and3A_96 : vector<16xi32> to vector<1x1x16xi32>
        tpu.vector_store %arg14[%swap3A_101, %swap3A_102, %swap3A_103], %swap3A_106 {strides = array<i32>} : memref<1x1x16384xi32, #tpu.memory_space<vmem>>, vector<1x1x16xi32>,
        %xor3A_107 = arith.xori %convert_element_type3A, %mul3A_81 : vector<16xi32>
        %xor3A_108 = arith.xori %xor3A_107, %add3A_93 : vector<16xi32>
        %and3A_109 = arith.constant 524287 : i32
        %and3A_110 = vector.broadcast %and3A_109 : i32 to vector<16xi32>
        %and3A_111 = arith.andi %xor3A_108, %and3A_110 : vector<16xi32>
        %add3A_112 = arith.constant 2048 : i32
        %add3A_113 = arith.addi %add3A_112, %mul3A_42 : i32
        %swap3A_114 = arith.constant 0 : i32
        %swap3A_115 = arith.constant 0 : i32
        %swap3A_116 = arith.index_cast %swap3A_114 : i32 to index
        %swap3A_117 = arith.index_cast %swap3A_115 : i32 to index
        %swap3A_118 = arith.index_cast %add3A_113 : i32 to index
        %swap3A_119 = tpu.vector_load %arg14[%swap3A_116, %swap3A_117, %swap3A_118] {strides = array<i32>} : memref<1x1x16384xi32, #tpu.memory_space<vmem>>, vector<1x1x16xi32>,
        %swap3A_120 = vector.shape_cast %swap3A_119 : vector<1x1x16xi32> to vector<16xi32>
        %swap3A_121 = vector.shape_cast %and3A_111 : vector<16xi32> to vector<1x1x16xi32>
        tpu.vector_store %arg14[%swap3A_116, %swap3A_117, %swap3A_118], %swap3A_121 {strides = array<i32>} : memref<1x1x16384xi32, #tpu.memory_space<vmem>>, vector<1x1x16xi32>,
        %xor3A_122 = arith.xori %convert_element_type3A, %add3A_90 : vector<16xi32>
        %xor3A_123 = arith.xori %xor3A_122, %mul3A_84 : vector<16xi32>
        %and3A_124 = arith.constant 524287 : i32
        %and3A_125 = vector.broadcast %and3A_124 : i32 to vector<16xi32>
        %and3A_126 = arith.andi %xor3A_123, %and3A_125 : vector<16xi32>
        %add3A_127 = arith.constant 4096 : i32
        %add3A_128 = arith.addi %add3A_127, %mul3A_42 : i32
        %swap3A_129 = arith.constant 0 : i32
        %swap3A_130 = arith.constant 0 : i32
        %swap3A_131 = arith.index_cast %swap3A_129 : i32 to index
        %swap3A_132 = arith.index_cast %swap3A_130 : i32 to index
        %swap3A_133 = arith.index_cast %add3A_128 : i32 to index
        %swap3A_134 = tpu.vector_load %arg14[%swap3A_131, %swap3A_132, %swap3A_133] {strides = array<i32>} : memref<1x1x16384xi32, #tpu.memory_space<vmem>>, vector<1x1x16xi32>,
        %swap3A_135 = vector.shape_cast %swap3A_134 : vector<1x1x16xi32> to vector<16xi32>
        %swap3A_136 = vector.shape_cast %and3A_126 : vector<16xi32> to vector<1x1x16xi32>
        tpu.vector_store %arg14[%swap3A_131, %swap3A_132, %swap3A_133], %swap3A_136 {strides = array<i32>} : memref<1x1x16384xi32, #tpu.memory_space<vmem>>, vector<1x1x16xi32>,
        %xor3A_137 = arith.xori %convert_element_type3A, %add3A_90 : vector<16xi32>
        %xor3A_138 = arith.xori %xor3A_137, %add3A_93 : vector<16xi32>
        %and3A_139 = arith.constant 524287 : i32
        %and3A_140 = vector.broadcast %and3A_139 : i32 to vector<16xi32>
        %and3A_141 = arith.andi %xor3A_138, %and3A_140 : vector<16xi32>
        %add3A_142 = arith.constant 6144 : i32
        %add3A_143 = arith.addi %add3A_142, %mul3A_42 : i32
        %swap3A_144 = arith.constant 0 : i32
        %swap3A_145 = arith.constant 0 : i32
        %swap3A_146 = arith.index_cast %swap3A_144 : i32 to index
        %swap3A_147 = arith.index_cast %swap3A_145 : i32 to index
        %swap3A_148 = arith.index_cast %add3A_143 : i32 to index
        %swap3A_149 = tpu.vector_load %arg14[%swap3A_146, %swap3A_147, %swap3A_148] {strides = array<i32>} : memref<1x1x16384xi32, #tpu.memory_space<vmem>>, vector<1x1x16xi32>,
        %swap3A_150 = vector.shape_cast %swap3A_149 : vector<1x1x16xi32> to vector<16xi32>
        %swap3A_151 = vector.shape_cast %and3A_141 : vector<16xi32> to vector<1x1x16xi32>
        tpu.vector_store %arg14[%swap3A_146, %swap3A_147, %swap3A_148], %swap3A_151 {strides = array<i32>} : memref<1x1x16384xi32, #tpu.memory_space<vmem>>, vector<1x1x16xi32>,
        %xor3A_152 = arith.xori %add3A_87, %mul3A_81 : vector<16xi32>
        %xor3A_153 = arith.xori %xor3A_152, %mul3A_84 : vector<16xi32>
        %and3A_154 = arith.constant 524287 : i32
        %and3A_155 = vector.broadcast %and3A_154 : i32 to vector<16xi32>
        %and3A_156 = arith.andi %xor3A_153, %and3A_155 : vector<16xi32>
        %add3A_157 = arith.constant 8192 : i32
        %add3A_158 = arith.addi %add3A_157, %mul3A_42 : i32
        %swap3A_159 = arith.constant 0 : i32
        %swap3A_160 = arith.constant 0 : i32
        %swap3A_161 = arith.index_cast %swap3A_159 : i32 to index
        %swap3A_162 = arith.index_cast %swap3A_160 : i32 to index
        %swap3A_163 = arith.index_cast %add3A_158 : i32 to index
        %swap3A_164 = tpu.vector_load %arg14[%swap3A_161, %swap3A_162, %swap3A_163] {strides = array<i32>} : memref<1x1x16384xi32, #tpu.memory_space<vmem>>, vector<1x1x16xi32>,
        %swap3A_165 = vector.shape_cast %swap3A_164 : vector<1x1x16xi32> to vector<16xi32>
        %swap3A_166 = vector.shape_cast %and3A_156 : vector<16xi32> to vector<1x1x16xi32>
        tpu.vector_store %arg14[%swap3A_161, %swap3A_162, %swap3A_163], %swap3A_166 {strides = array<i32>} : memref<1x1x16384xi32, #tpu.memory_space<vmem>>, vector<1x1x16xi32>,
        %xor3A_167 = arith.xori %add3A_87, %mul3A_81 : vector<16xi32>
        %xor3A_168 = arith.xori %xor3A_167, %add3A_93 : vector<16xi32>
        %and3A_169 = arith.constant 524287 : i32
        %and3A_170 = vector.broadcast %and3A_169 : i32 to vector<16xi32>
        %and3A_171 = arith.andi %xor3A_168, %and3A_170 : vector<16xi32>
        %add3A_172 = arith.constant 10240 : i32
        %add3A_173 = arith.addi %add3A_172, %mul3A_42 : i32
        %swap3A_174 = arith.constant 0 : i32
        %swap3A_175 = arith.constant 0 : i32
        %swap3A_176 = arith.index_cast %swap3A_174 : i32 to index
        %swap3A_177 = arith.index_cast %swap3A_175 : i32 to index
        %swap3A_178 = arith.index_cast %add3A_173 : i32 to index
        %swap3A_179 = tpu.vector_load %arg14[%swap3A_176, %swap3A_177, %swap3A_178] {strides = array<i32>} : memref<1x1x16384xi32, #tpu.memory_space<vmem>>, vector<1x1x16xi32>,
        %swap3A_180 = vector.shape_cast %swap3A_179 : vector<1x1x16xi32> to vector<16xi32>
        %swap3A_181 = vector.shape_cast %and3A_171 : vector<16xi32> to vector<1x1x16xi32>
        tpu.vector_store %arg14[%swap3A_176, %swap3A_177, %swap3A_178], %swap3A_181 {strides = array<i32>} : memref<1x1x16384xi32, #tpu.memory_space<vmem>>, vector<1x1x16xi32>,
        %xor3A_182 = arith.xori %add3A_87, %add3A_90 : vector<16xi32>
        %xor3A_183 = arith.xori %xor3A_182, %mul3A_84 : vector<16xi32>
        %and3A_184 = arith.constant 524287 : i32
        %and3A_185 = vector.broadcast %and3A_184 : i32 to vector<16xi32>
        %and3A_186 = arith.andi %xor3A_183, %and3A_185 : vector<16xi32>
        %add3A_187 = arith.constant 12288 : i32
        %add3A_188 = arith.addi %add3A_187, %mul3A_42 : i32
        %swap3A_189 = arith.constant 0 : i32
        %swap3A_190 = arith.constant 0 : i32
        %swap3A_191 = arith.index_cast %swap3A_189 : i32 to index
        %swap3A_192 = arith.index_cast %swap3A_190 : i32 to index
        %swap3A_193 = arith.index_cast %add3A_188 : i32 to index
        %swap3A_194 = tpu.vector_load %arg14[%swap3A_191, %swap3A_192, %swap3A_193] {strides = array<i32>} : memref<1x1x16384xi32, #tpu.memory_space<vmem>>, vector<1x1x16xi32>,
        %swap3A_195 = vector.shape_cast %swap3A_194 : vector<1x1x16xi32> to vector<16xi32>
        %swap3A_196 = vector.shape_cast %and3A_186 : vector<16xi32> to vector<1x1x16xi32>
        tpu.vector_store %arg14[%swap3A_191, %swap3A_192, %swap3A_193], %swap3A_196 {strides = array<i32>} : memref<1x1x16384xi32, #tpu.memory_space<vmem>>, vector<1x1x16xi32>,
        %xor3A_197 = arith.xori %add3A_87, %add3A_90 : vector<16xi32>
        %xor3A_198 = arith.xori %xor3A_197, %add3A_93 : vector<16xi32>
        %and3A_199 = arith.constant 524287 : i32
        %and3A_200 = vector.broadcast %and3A_199 : i32 to vector<16xi32>
        %and3A_201 = arith.andi %xor3A_198, %and3A_200 : vector<16xi32>
        %add3A_202 = arith.constant 14336 : i32
        %add3A_203 = arith.addi %add3A_202, %mul3A_42 : i32
        %swap3A_204 = arith.constant 0 : i32
        %swap3A_205 = arith.constant 0 : i32
        %swap3A_206 = arith.index_cast %swap3A_204 : i32 to index
        %swap3A_207 = arith.index_cast %swap3A_205 : i32 to index
        %swap3A_208 = arith.index_cast %add3A_203 : i32 to index
        %swap3A_209 = tpu.vector_load %arg14[%swap3A_206, %swap3A_207, %swap3A_208] {strides = array<i32>} : memref<1x1x16384xi32, #tpu.memory_space<vmem>>, vector<1x1x16xi32>,
        %swap3A_210 = vector.shape_cast %swap3A_209 : vector<1x1x16xi32> to vector<16xi32>
        %swap3A_211 = vector.shape_cast %and3A_201 : vector<16xi32> to vector<1x1x16xi32>
        tpu.vector_store %arg14[%swap3A_206, %swap3A_207, %swap3A_208], %swap3A_211 {strides = array<i32>} : memref<1x1x16384xi32, #tpu.memory_space<vmem>>, vector<1x1x16xi32>,
      }
      %scan3A_26 = arith.constant 128 : i32
      %dma_start3A = arith.constant 0 : i32
      %dma_start3A_27 = arith.constant 0 : i32
      %dma_start3A_28 = arith.constant 0 : i32
      %dma_start3A_29 = tpu.memref_slice %arg14[%dma_start3A, %dma_start3A_27, %dma_start3A_28] : memref<1x1x16384xi32, #tpu.memory_space<vmem>> -> memref<1x1x16384xi32, #tpu.memory_space<vmem>>
      %dma_start3A_30 = tpu.memref_squeeze %dma_start3A_29 : memref<1x1x16384xi32, #tpu.memory_space<vmem>> -> memref<16384xi32, #tpu.memory_space<vmem>>
      %dma_start3A_31 = arith.constant 0 : i32
      %dma_start3A_32 = tpu.memref_slice %arg19[%dma_start3A_31] : memref<524288xf32, #tpu.memory_space<vmem_shared>> -> memref<524288xf32, #tpu.memory_space<vmem_shared>>
      tpu.enqueue_indirect_dma source(%dma_start3A_32 : memref<524288xf32, #tpu.memory_space<vmem_shared>>) target(%arg16 : memref<16384xf32, #tpu.memory_space<vmem>>) offsets(%dma_start3A_30 : memref<16384xi32, #tpu.memory_space<vmem>>) semaphore(%arg20 : memref<!tpu.dma_semaphore, #tpu.memory_space<semaphore_mem>>)
      %scan3A_33 = arith.constant 0 : i32
      %scan3A_34 = arith.constant 0 : i32
      %scan3A_35 = arith.constant 8 : i32
      %scan3A_36 = arith.addi %scan3A_34, %scan3A_35 : i32
      %scan3A_37 = arith.constant 1 : i32
      scf.for %scan3A_40 = %scan3A_34 to %scan3A_36 step %scan3A_37  : i32 {
        %mul3A_41 = arith.constant 2 : i32
        %mul3A_42 = arith.muli %mul3A_41, %scan3A_40 : i32
        %add3A_43 = arith.constant 1 : i32
        %add3A_44 = arith.addi %mul3A_42, %add3A_43 : i32
        %mul3A_45 = arith.constant 32768 : i32
        %mul3A_46 = arith.muli %add3A, %mul3A_45 : i32
        %mul3A_47 = arith.constant 2048 : i32
        %mul3A_48 = arith.muli %add3A_44, %mul3A_47 : i32
        %add3A_49 = arith.addi %mul3A_46, %mul3A_48 : i32
        "tpu.region"() ({
          %run_scoped3A = tpu.sem_alloc : memref<!tpu.dma_semaphore, #tpu.memory_space<semaphore_mem>>
          %dma_start3A_106 = tpu.memref_slice %arg2[%add3A_49] : memref<1048576xf32, #tpu.memory_space<hbm>> -> memref<2048xf32, #tpu.memory_space<hbm>>
          %dma_start3A_107 = tpu.memref_slice %arg2[%add3A_49] : memref<1048576xf32, #tpu.memory_space<hbm>> -> memref<2048xf32, #tpu.memory_space<hbm>>
          tpu.enqueue_dma source(%dma_start3A_107 : memref<2048xf32, #tpu.memory_space<hbm>>) target(%arg8 : memref<2048xf32, #tpu.memory_space<vmem>>) target_semaphore(%run_scoped3A : memref<!tpu.dma_semaphore, #tpu.memory_space<semaphore_mem>>)
          %dma_wait3A_108 = tpu.memref_slice %arg2[%add3A_49] : memref<1048576xf32, #tpu.memory_space<hbm>> -> memref<2048xf32, #tpu.memory_space<hbm>>
          %dma_wait3A_109 = tpu.memref_slice %arg2[%add3A_49] : memref<1048576xf32, #tpu.memory_space<hbm>> -> memref<2048xf32, #tpu.memory_space<hbm>>
          tpu.wait_dma2 semaphore(%run_scoped3A : memref<!tpu.dma_semaphore, #tpu.memory_space<semaphore_mem>>) src(%dma_wait3A_109 : memref<2048xf32, #tpu.memory_space<hbm>>) dst(%arg8 : memref<2048xf32, #tpu.memory_space<vmem>>)
          tpu.yield
        }) : () -> ()
        "tpu.region"() ({
          %run_scoped3A = tpu.sem_alloc : memref<!tpu.dma_semaphore, #tpu.memory_space<semaphore_mem>>
          %dma_start3A_106 = tpu.memref_slice %arg3[%add3A_49] : memref<1048576xf32, #tpu.memory_space<hbm>> -> memref<2048xf32, #tpu.memory_space<hbm>>
          %dma_start3A_107 = tpu.memref_slice %arg3[%add3A_49] : memref<1048576xf32, #tpu.memory_space<hbm>> -> memref<2048xf32, #tpu.memory_space<hbm>>
          tpu.enqueue_dma source(%dma_start3A_107 : memref<2048xf32, #tpu.memory_space<hbm>>) target(%arg9 : memref<2048xf32, #tpu.memory_space<vmem>>) target_semaphore(%run_scoped3A : memref<!tpu.dma_semaphore, #tpu.memory_space<semaphore_mem>>)
          %dma_wait3A_108 = tpu.memref_slice %arg3[%add3A_49] : memref<1048576xf32, #tpu.memory_space<hbm>> -> memref<2048xf32, #tpu.memory_space<hbm>>
          %dma_wait3A_109 = tpu.memref_slice %arg3[%add3A_49] : memref<1048576xf32, #tpu.memory_space<hbm>> -> memref<2048xf32, #tpu.memory_space<hbm>>
          tpu.wait_dma2 semaphore(%run_scoped3A : memref<!tpu.dma_semaphore, #tpu.memory_space<semaphore_mem>>) src(%dma_wait3A_109 : memref<2048xf32, #tpu.memory_space<hbm>>) dst(%arg9 : memref<2048xf32, #tpu.memory_space<vmem>>)
          tpu.yield
        }) : () -> ()
        "tpu.region"() ({
          %run_scoped3A = tpu.sem_alloc : memref<!tpu.dma_semaphore, #tpu.memory_space<semaphore_mem>>
          %dma_start3A_106 = tpu.memref_slice %arg4[%add3A_49] : memref<1048576xf32, #tpu.memory_space<hbm>> -> memref<2048xf32, #tpu.memory_space<hbm>>
          %dma_start3A_107 = tpu.memref_slice %arg4[%add3A_49] : memref<1048576xf32, #tpu.memory_space<hbm>> -> memref<2048xf32, #tpu.memory_space<hbm>>
          tpu.enqueue_dma source(%dma_start3A_107 : memref<2048xf32, #tpu.memory_space<hbm>>) target(%arg10 : memref<2048xf32, #tpu.memory_space<vmem>>) target_semaphore(%run_scoped3A : memref<!tpu.dma_semaphore, #tpu.memory_space<semaphore_mem>>)
          %dma_wait3A_108 = tpu.memref_slice %arg4[%add3A_49] : memref<1048576xf32, #tpu.memory_space<hbm>> -> memref<2048xf32, #tpu.memory_space<hbm>>
          %dma_wait3A_109 = tpu.memref_slice %arg4[%add3A_49] : memref<1048576xf32, #tpu.memory_space<hbm>> -> memref<2048xf32, #tpu.memory_space<hbm>>
          tpu.wait_dma2 semaphore(%run_scoped3A : memref<!tpu.dma_semaphore, #tpu.memory_space<semaphore_mem>>) src(%dma_wait3A_109 : memref<2048xf32, #tpu.memory_space<hbm>>) dst(%arg10 : memref<2048xf32, #tpu.memory_space<vmem>>)
          tpu.yield
        }) : () -> ()
        %scan3A_50 = arith.constant 0 : i32
        %scan3A_51 = arith.constant 0 : i32
        %scan3A_52 = arith.constant 128 : i32
        %scan3A_53 = arith.addi %scan3A_51, %scan3A_52 : i32
        %scan3A_54 = arith.constant 1 : i32
        scf.for %scan3A_106 = %scan3A_51 to %scan3A_53 step %scan3A_54  : i32 {
          %mul3A_107 = arith.constant 16 : i32
          %mul3A_108 = arith.muli %scan3A_106, %mul3A_107 : i32
          %get3A_109 = arith.index_cast %mul3A_108 : i32 to index
          %get3A_110 = tpu.vector_load %arg8[%get3A_109] {strides = array<i32>} : memref<2048xf32, #tpu.memory_space<vmem>>, vector<16xf32>,
          %get3A_111 = vector.shape_cast %get3A_110 : vector<16xf32> to vector<16xf32>
          %mul3A_112 = arith.mulf %get3A_111, %get3A_16 : vector<16xf32>
          %get3A_113 = arith.index_cast %mul3A_108 : i32 to index
          %get3A_114 = tpu.vector_load %arg9[%get3A_113] {strides = array<i32>} : memref<2048xf32, #tpu.memory_space<vmem>>, vector<16xf32>,
          %get3A_115 = vector.shape_cast %get3A_114 : vector<16xf32> to vector<16xf32>
          %mul3A_116 = arith.mulf %get3A_115, %get3A_16 : vector<16xf32>
          %get3A_117 = arith.index_cast %mul3A_108 : i32 to index
          %get3A_118 = tpu.vector_load %arg10[%get3A_117] {strides = array<i32>} : memref<2048xf32, #tpu.memory_space<vmem>>, vector<16xf32>,
          %get3A_119 = vector.shape_cast %get3A_118 : vector<16xf32> to vector<16xf32>
          %mul3A_120 = arith.mulf %get3A_119, %get3A_16 : vector<16xf32>
          %convert_element_type3A_121 = arith.fptosi %mul3A_112 : vector<16xf32> to vector<16xi32>
          %convert_element_type3A_122 = arith.fptosi %mul3A_116 : vector<16xf32> to vector<16xi32>
          %convert_element_type3A_123 = arith.fptosi %mul3A_120 : vector<16xf32> to vector<16xi32>
          %convert_element_type3A_124 = arith.sitofp %convert_element_type3A_121 : vector<16xi32> to vector<16xf32>
          %sub3A = arith.subf %mul3A_112, %convert_element_type3A_124 : vector<16xf32>
          %swap3A = arith.constant 0 : i32
          %swap3A_125 = arith.index_cast %swap3A : i32 to index
          %swap3A_126 = arith.index_cast %mul3A_108 : i32 to index
          %swap3A_127 = tpu.vector_load %arg13[%swap3A_125, %swap3A_126] {strides = array<i32>} : memref<3x2048xf32, #tpu.memory_space<vmem>>, vector<1x16xf32>,
          %swap3A_128 = vector.shape_cast %swap3A_127 : vector<1x16xf32> to vector<16xf32>
          %swap3A_129 = vector.shape_cast %sub3A : vector<16xf32> to vector<1x16xf32>
          tpu.vector_store %arg13[%swap3A_125, %swap3A_126], %swap3A_129 {strides = array<i32>} : memref<3x2048xf32, #tpu.memory_space<vmem>>, vector<1x16xf32>,
          %convert_element_type3A_130 = arith.sitofp %convert_element_type3A_122 : vector<16xi32> to vector<16xf32>
          %sub3A_131 = arith.subf %mul3A_116, %convert_element_type3A_130 : vector<16xf32>
          %swap3A_132 = arith.constant 1 : i32
          %swap3A_133 = arith.index_cast %swap3A_132 : i32 to index
          %swap3A_134 = arith.index_cast %mul3A_108 : i32 to index
          %swap3A_135 = tpu.vector_load %arg13[%swap3A_133, %swap3A_134] {strides = array<i32>} : memref<3x2048xf32, #tpu.memory_space<vmem>>, vector<1x16xf32>,
          %swap3A_136 = vector.shape_cast %swap3A_135 : vector<1x16xf32> to vector<16xf32>
          %swap3A_137 = vector.shape_cast %sub3A_131 : vector<16xf32> to vector<1x16xf32>
          tpu.vector_store %arg13[%swap3A_133, %swap3A_134], %swap3A_137 {strides = array<i32>} : memref<3x2048xf32, #tpu.memory_space<vmem>>, vector<1x16xf32>,
          %convert_element_type3A_138 = arith.sitofp %convert_element_type3A_123 : vector<16xi32> to vector<16xf32>
          %sub3A_139 = arith.subf %mul3A_120, %convert_element_type3A_138 : vector<16xf32>
          %swap3A_140 = arith.constant 2 : i32
          %swap3A_141 = arith.index_cast %swap3A_140 : i32 to index
          %swap3A_142 = arith.index_cast %mul3A_108 : i32 to index
          %swap3A_143 = tpu.vector_load %arg13[%swap3A_141, %swap3A_142] {strides = array<i32>} : memref<3x2048xf32, #tpu.memory_space<vmem>>, vector<1x16xf32>,
          %swap3A_144 = vector.shape_cast %swap3A_143 : vector<1x16xf32> to vector<16xf32>
          %swap3A_145 = vector.shape_cast %sub3A_139 : vector<16xf32> to vector<1x16xf32>
          tpu.vector_store %arg13[%swap3A_141, %swap3A_142], %swap3A_145 {strides = array<i32>} : memref<3x2048xf32, #tpu.memory_space<vmem>>, vector<1x16xf32>,
          %mul3A_146 = arith.constant -1640531535 : i32
          %mul3A_147 = vector.broadcast %mul3A_146 : i32 to vector<16xi32>
          %mul3A_148 = arith.muli %convert_element_type3A_122, %mul3A_147 : vector<16xi32>
          %mul3A_149 = arith.constant 805459861 : i32
          %mul3A_150 = vector.broadcast %mul3A_149 : i32 to vector<16xi32>
          %mul3A_151 = arith.muli %convert_element_type3A_123, %mul3A_150 : vector<16xi32>
          %add3A_152 = arith.constant 1 : i32
          %add3A_153 = vector.broadcast %add3A_152 : i32 to vector<16xi32>
          %add3A_154 = arith.addi %convert_element_type3A_121, %add3A_153 : vector<16xi32>
          %add3A_155 = arith.constant -1640531535 : i32
          %add3A_156 = vector.broadcast %add3A_155 : i32 to vector<16xi32>
          %add3A_157 = arith.addi %mul3A_148, %add3A_156 : vector<16xi32>
          %add3A_158 = arith.constant 805459861 : i32
          %add3A_159 = vector.broadcast %add3A_158 : i32 to vector<16xi32>
          %add3A_160 = arith.addi %mul3A_151, %add3A_159 : vector<16xi32>
          %xor3A = arith.xori %convert_element_type3A_121, %mul3A_148 : vector<16xi32>
          %xor3A_161 = arith.xori %xor3A, %mul3A_151 : vector<16xi32>
          %and3A = arith.constant 524287 : i32
          %and3A_162 = vector.broadcast %and3A : i32 to vector<16xi32>
          %and3A_163 = arith.andi %xor3A_161, %and3A_162 : vector<16xi32>
          %add3A_164 = arith.constant 0 : i32
          %add3A_165 = arith.addi %add3A_164, %mul3A_108 : i32
          %swap3A_166 = arith.constant 0 : i32
          %swap3A_167 = arith.constant 0 : i32
          %swap3A_168 = arith.index_cast %swap3A_166 : i32 to index
          %swap3A_169 = arith.index_cast %swap3A_167 : i32 to index
          %swap3A_170 = arith.index_cast %add3A_165 : i32 to index
          %swap3A_171 = tpu.vector_load %arg15[%swap3A_168, %swap3A_169, %swap3A_170] {strides = array<i32>} : memref<1x1x16384xi32, #tpu.memory_space<vmem>>, vector<1x1x16xi32>,
          %swap3A_172 = vector.shape_cast %swap3A_171 : vector<1x1x16xi32> to vector<16xi32>
          %swap3A_173 = vector.shape_cast %and3A_163 : vector<16xi32> to vector<1x1x16xi32>
          tpu.vector_store %arg15[%swap3A_168, %swap3A_169, %swap3A_170], %swap3A_173 {strides = array<i32>} : memref<1x1x16384xi32, #tpu.memory_space<vmem>>, vector<1x1x16xi32>,
          %xor3A_174 = arith.xori %convert_element_type3A_121, %mul3A_148 : vector<16xi32>
          %xor3A_175 = arith.xori %xor3A_174, %add3A_160 : vector<16xi32>
          %and3A_176 = arith.constant 524287 : i32
          %and3A_177 = vector.broadcast %and3A_176 : i32 to vector<16xi32>
          %and3A_178 = arith.andi %xor3A_175, %and3A_177 : vector<16xi32>
          %add3A_179 = arith.constant 2048 : i32
          %add3A_180 = arith.addi %add3A_179, %mul3A_108 : i32
          %swap3A_181 = arith.constant 0 : i32
          %swap3A_182 = arith.constant 0 : i32
          %swap3A_183 = arith.index_cast %swap3A_181 : i32 to index
          %swap3A_184 = arith.index_cast %swap3A_182 : i32 to index
          %swap3A_185 = arith.index_cast %add3A_180 : i32 to index
          %swap3A_186 = tpu.vector_load %arg15[%swap3A_183, %swap3A_184, %swap3A_185] {strides = array<i32>} : memref<1x1x16384xi32, #tpu.memory_space<vmem>>, vector<1x1x16xi32>,
          %swap3A_187 = vector.shape_cast %swap3A_186 : vector<1x1x16xi32> to vector<16xi32>
          %swap3A_188 = vector.shape_cast %and3A_178 : vector<16xi32> to vector<1x1x16xi32>
          tpu.vector_store %arg15[%swap3A_183, %swap3A_184, %swap3A_185], %swap3A_188 {strides = array<i32>} : memref<1x1x16384xi32, #tpu.memory_space<vmem>>, vector<1x1x16xi32>,
          %xor3A_189 = arith.xori %convert_element_type3A_121, %add3A_157 : vector<16xi32>
          %xor3A_190 = arith.xori %xor3A_189, %mul3A_151 : vector<16xi32>
          %and3A_191 = arith.constant 524287 : i32
          %and3A_192 = vector.broadcast %and3A_191 : i32 to vector<16xi32>
          %and3A_193 = arith.andi %xor3A_190, %and3A_192 : vector<16xi32>
          %add3A_194 = arith.constant 4096 : i32
          %add3A_195 = arith.addi %add3A_194, %mul3A_108 : i32
          %swap3A_196 = arith.constant 0 : i32
          %swap3A_197 = arith.constant 0 : i32
          %swap3A_198 = arith.index_cast %swap3A_196 : i32 to index
          %swap3A_199 = arith.index_cast %swap3A_197 : i32 to index
          %swap3A_200 = arith.index_cast %add3A_195 : i32 to index
          %swap3A_201 = tpu.vector_load %arg15[%swap3A_198, %swap3A_199, %swap3A_200] {strides = array<i32>} : memref<1x1x16384xi32, #tpu.memory_space<vmem>>, vector<1x1x16xi32>,
          %swap3A_202 = vector.shape_cast %swap3A_201 : vector<1x1x16xi32> to vector<16xi32>
          %swap3A_203 = vector.shape_cast %and3A_193 : vector<16xi32> to vector<1x1x16xi32>
          tpu.vector_store %arg15[%swap3A_198, %swap3A_199, %swap3A_200], %swap3A_203 {strides = array<i32>} : memref<1x1x16384xi32, #tpu.memory_space<vmem>>, vector<1x1x16xi32>,
          %xor3A_204 = arith.xori %convert_element_type3A_121, %add3A_157 : vector<16xi32>
          %xor3A_205 = arith.xori %xor3A_204, %add3A_160 : vector<16xi32>
          %and3A_206 = arith.constant 524287 : i32
          %and3A_207 = vector.broadcast %and3A_206 : i32 to vector<16xi32>
          %and3A_208 = arith.andi %xor3A_205, %and3A_207 : vector<16xi32>
          %add3A_209 = arith.constant 6144 : i32
          %add3A_210 = arith.addi %add3A_209, %mul3A_108 : i32
          %swap3A_211 = arith.constant 0 : i32
          %swap3A_212 = arith.constant 0 : i32
          %swap3A_213 = arith.index_cast %swap3A_211 : i32 to index
          %swap3A_214 = arith.index_cast %swap3A_212 : i32 to index
          %swap3A_215 = arith.index_cast %add3A_210 : i32 to index
          %swap3A_216 = tpu.vector_load %arg15[%swap3A_213, %swap3A_214, %swap3A_215] {strides = array<i32>} : memref<1x1x16384xi32, #tpu.memory_space<vmem>>, vector<1x1x16xi32>,
          %swap3A_217 = vector.shape_cast %swap3A_216 : vector<1x1x16xi32> to vector<16xi32>
          %swap3A_218 = vector.shape_cast %and3A_208 : vector<16xi32> to vector<1x1x16xi32>
          tpu.vector_store %arg15[%swap3A_213, %swap3A_214, %swap3A_215], %swap3A_218 {strides = array<i32>} : memref<1x1x16384xi32, #tpu.memory_space<vmem>>, vector<1x1x16xi32>,
          %xor3A_219 = arith.xori %add3A_154, %mul3A_148 : vector<16xi32>
          %xor3A_220 = arith.xori %xor3A_219, %mul3A_151 : vector<16xi32>
          %and3A_221 = arith.constant 524287 : i32
          %and3A_222 = vector.broadcast %and3A_221 : i32 to vector<16xi32>
          %and3A_223 = arith.andi %xor3A_220, %and3A_222 : vector<16xi32>
          %add3A_224 = arith.constant 8192 : i32
          %add3A_225 = arith.addi %add3A_224, %mul3A_108 : i32
          %swap3A_226 = arith.constant 0 : i32
          %swap3A_227 = arith.constant 0 : i32
          %swap3A_228 = arith.index_cast %swap3A_226 : i32 to index
          %swap3A_229 = arith.index_cast %swap3A_227 : i32 to index
          %swap3A_230 = arith.index_cast %add3A_225 : i32 to index
          %swap3A_231 = tpu.vector_load %arg15[%swap3A_228, %swap3A_229, %swap3A_230] {strides = array<i32>} : memref<1x1x16384xi32, #tpu.memory_space<vmem>>, vector<1x1x16xi32>,
          %swap3A_232 = vector.shape_cast %swap3A_231 : vector<1x1x16xi32> to vector<16xi32>
          %swap3A_233 = vector.shape_cast %and3A_223 : vector<16xi32> to vector<1x1x16xi32>
          tpu.vector_store %arg15[%swap3A_228, %swap3A_229, %swap3A_230], %swap3A_233 {strides = array<i32>} : memref<1x1x16384xi32, #tpu.memory_space<vmem>>, vector<1x1x16xi32>,
          %xor3A_234 = arith.xori %add3A_154, %mul3A_148 : vector<16xi32>
          %xor3A_235 = arith.xori %xor3A_234, %add3A_160 : vector<16xi32>
          %and3A_236 = arith.constant 524287 : i32
          %and3A_237 = vector.broadcast %and3A_236 : i32 to vector<16xi32>
          %and3A_238 = arith.andi %xor3A_235, %and3A_237 : vector<16xi32>
          %add3A_239 = arith.constant 10240 : i32
          %add3A_240 = arith.addi %add3A_239, %mul3A_108 : i32
          %swap3A_241 = arith.constant 0 : i32
          %swap3A_242 = arith.constant 0 : i32
          %swap3A_243 = arith.index_cast %swap3A_241 : i32 to index
          %swap3A_244 = arith.index_cast %swap3A_242 : i32 to index
          %swap3A_245 = arith.index_cast %add3A_240 : i32 to index
          %swap3A_246 = tpu.vector_load %arg15[%swap3A_243, %swap3A_244, %swap3A_245] {strides = array<i32>} : memref<1x1x16384xi32, #tpu.memory_space<vmem>>, vector<1x1x16xi32>,
          %swap3A_247 = vector.shape_cast %swap3A_246 : vector<1x1x16xi32> to vector<16xi32>
          %swap3A_248 = vector.shape_cast %and3A_238 : vector<16xi32> to vector<1x1x16xi32>
          tpu.vector_store %arg15[%swap3A_243, %swap3A_244, %swap3A_245], %swap3A_248 {strides = array<i32>} : memref<1x1x16384xi32, #tpu.memory_space<vmem>>, vector<1x1x16xi32>,
          %xor3A_249 = arith.xori %add3A_154, %add3A_157 : vector<16xi32>
          %xor3A_250 = arith.xori %xor3A_249, %mul3A_151 : vector<16xi32>
          %and3A_251 = arith.constant 524287 : i32
          %and3A_252 = vector.broadcast %and3A_251 : i32 to vector<16xi32>
          %and3A_253 = arith.andi %xor3A_250, %and3A_252 : vector<16xi32>
          %add3A_254 = arith.constant 12288 : i32
          %add3A_255 = arith.addi %add3A_254, %mul3A_108 : i32
          %swap3A_256 = arith.constant 0 : i32
          %swap3A_257 = arith.constant 0 : i32
          %swap3A_258 = arith.index_cast %swap3A_256 : i32 to index
          %swap3A_259 = arith.index_cast %swap3A_257 : i32 to index
          %swap3A_260 = arith.index_cast %add3A_255 : i32 to index
          %swap3A_261 = tpu.vector_load %arg15[%swap3A_258, %swap3A_259, %swap3A_260] {strides = array<i32>} : memref<1x1x16384xi32, #tpu.memory_space<vmem>>, vector<1x1x16xi32>,
          %swap3A_262 = vector.shape_cast %swap3A_261 : vector<1x1x16xi32> to vector<16xi32>
          %swap3A_263 = vector.shape_cast %and3A_253 : vector<16xi32> to vector<1x1x16xi32>
          tpu.vector_store %arg15[%swap3A_258, %swap3A_259, %swap3A_260], %swap3A_263 {strides = array<i32>} : memref<1x1x16384xi32, #tpu.memory_space<vmem>>, vector<1x1x16xi32>,
          %xor3A_264 = arith.xori %add3A_154, %add3A_157 : vector<16xi32>
          %xor3A_265 = arith.xori %xor3A_264, %add3A_160 : vector<16xi32>
          %and3A_266 = arith.constant 524287 : i32
          %and3A_267 = vector.broadcast %and3A_266 : i32 to vector<16xi32>
          %and3A_268 = arith.andi %xor3A_265, %and3A_267 : vector<16xi32>
          %add3A_269 = arith.constant 14336 : i32
          %add3A_270 = arith.addi %add3A_269, %mul3A_108 : i32
          %swap3A_271 = arith.constant 0 : i32
          %swap3A_272 = arith.constant 0 : i32
          %swap3A_273 = arith.index_cast %swap3A_271 : i32 to index
          %swap3A_274 = arith.index_cast %swap3A_272 : i32 to index
          %swap3A_275 = arith.index_cast %add3A_270 : i32 to index
          %swap3A_276 = tpu.vector_load %arg15[%swap3A_273, %swap3A_274, %swap3A_275] {strides = array<i32>} : memref<1x1x16384xi32, #tpu.memory_space<vmem>>, vector<1x1x16xi32>,
          %swap3A_277 = vector.shape_cast %swap3A_276 : vector<1x1x16xi32> to vector<16xi32>
          %swap3A_278 = vector.shape_cast %and3A_268 : vector<16xi32> to vector<1x1x16xi32>
          tpu.vector_store %arg15[%swap3A_273, %swap3A_274, %swap3A_275], %swap3A_278 {strides = array<i32>} : memref<1x1x16384xi32, #tpu.memory_space<vmem>>, vector<1x1x16xi32>,
        }
        %scan3A_55 = arith.constant 128 : i32
        %dma_start3A_56 = arith.constant 0 : i32
        %dma_start3A_57 = arith.constant 0 : i32
        %dma_start3A_58 = arith.constant 0 : i32
        %dma_start3A_59 = tpu.memref_slice %arg15[%dma_start3A_56, %dma_start3A_57, %dma_start3A_58] : memref<1x1x16384xi32, #tpu.memory_space<vmem>> -> memref<1x1x16384xi32, #tpu.memory_space<vmem>>
        %dma_start3A_60 = tpu.memref_squeeze %dma_start3A_59 : memref<1x1x16384xi32, #tpu.memory_space<vmem>> -> memref<16384xi32, #tpu.memory_space<vmem>>
        %dma_start3A_61 = arith.constant 0 : i32
        %dma_start3A_62 = tpu.memref_slice %arg19[%dma_start3A_61] : memref<524288xf32, #tpu.memory_space<vmem_shared>> -> memref<524288xf32, #tpu.memory_space<vmem_shared>>
        tpu.enqueue_indirect_dma source(%dma_start3A_62 : memref<524288xf32, #tpu.memory_space<vmem_shared>>) target(%arg17 : memref<16384xf32, #tpu.memory_space<vmem>>) offsets(%dma_start3A_60 : memref<16384xi32, #tpu.memory_space<vmem>>) semaphore(%arg21 : memref<!tpu.dma_semaphore, #tpu.memory_space<semaphore_mem>>)
        %dma_wait3A = arith.constant 0 : i32
        %dma_wait3A_63 = arith.constant 0 : i32
        %dma_wait3A_64 = arith.constant 0 : i32
        %dma_wait3A_65 = tpu.memref_slice %arg14[%dma_wait3A, %dma_wait3A_63, %dma_wait3A_64] : memref<1x1x16384xi32, #tpu.memory_space<vmem>> -> memref<1x1x16384xi32, #tpu.memory_space<vmem>>
        %dma_wait3A_66 = tpu.memref_squeeze %dma_wait3A_65 : memref<1x1x16384xi32, #tpu.memory_space<vmem>> -> memref<16384xi32, #tpu.memory_space<vmem>>
        %dma_wait3A_67 = arith.constant 0 : i32
        %dma_wait3A_68 = tpu.memref_slice %arg19[%dma_wait3A_67] : memref<524288xf32, #tpu.memory_space<vmem_shared>> -> memref<524288xf32, #tpu.memory_space<vmem_shared>>
        tpu.wait_indirect_dma semaphore(%arg20 : memref<!tpu.dma_semaphore, #tpu.memory_space<semaphore_mem>>) src(%dma_wait3A_68 : memref<524288xf32, #tpu.memory_space<vmem_shared>>) dst(%arg16 : memref<16384xf32, #tpu.memory_space<vmem>>)
        %scan3A_69 = arith.constant 0 : i32
        %scan3A_70 = arith.constant 0 : i32
        %scan3A_71 = arith.constant 128 : i32
        %scan3A_72 = arith.addi %scan3A_70, %scan3A_71 : i32
        %scan3A_73 = arith.constant 1 : i32
        scf.for %scan3A_106 = %scan3A_70 to %scan3A_72 step %scan3A_73  : i32 {
          %mul3A_107 = arith.constant 16 : i32
          %mul3A_108 = arith.muli %scan3A_106, %mul3A_107 : i32
          %get3A_109 = arith.constant 0 : i32
          %get3A_110 = arith.index_cast %get3A_109 : i32 to index
          %get3A_111 = arith.index_cast %mul3A_108 : i32 to index
          %get3A_112 = tpu.vector_load %arg12[%get3A_110, %get3A_111] {strides = array<i32>} : memref<3x2048xf32, #tpu.memory_space<vmem>>, vector<1x16xf32>,
          %get3A_113 = vector.shape_cast %get3A_112 : vector<1x16xf32> to vector<16xf32>
          %get3A_114 = arith.constant 1 : i32
          %get3A_115 = arith.index_cast %get3A_114 : i32 to index
          %get3A_116 = arith.index_cast %mul3A_108 : i32 to index
          %get3A_117 = tpu.vector_load %arg12[%get3A_115, %get3A_116] {strides = array<i32>} : memref<3x2048xf32, #tpu.memory_space<vmem>>, vector<1x16xf32>,
          %get3A_118 = vector.shape_cast %get3A_117 : vector<1x16xf32> to vector<16xf32>
          %get3A_119 = arith.constant 2 : i32
          %get3A_120 = arith.index_cast %get3A_119 : i32 to index
          %get3A_121 = arith.index_cast %mul3A_108 : i32 to index
          %get3A_122 = tpu.vector_load %arg12[%get3A_120, %get3A_121] {strides = array<i32>} : memref<3x2048xf32, #tpu.memory_space<vmem>>, vector<1x16xf32>,
          %get3A_123 = vector.shape_cast %get3A_122 : vector<1x16xf32> to vector<16xf32>
          %add3A_124 = arith.constant 0 : i32
          %add3A_125 = arith.addi %add3A_124, %mul3A_108 : i32
          %get3A_126 = arith.index_cast %add3A_125 : i32 to index
          %get3A_127 = tpu.vector_load %arg16[%get3A_126] {strides = array<i32>} : memref<16384xf32, #tpu.memory_space<vmem>>, vector<16xf32>,
          %get3A_128 = vector.shape_cast %get3A_127 : vector<16xf32> to vector<16xf32>
          %bitcast_convert_type3A = tpu.bitcast %get3A_128 : vector<16xf32> -> vector<16xi32>
          %shift_left3A = arith.constant 16 : i32
          %shift_left3A_129 = vector.broadcast %shift_left3A : i32 to vector<16xi32>
          %shift_left3A_130 = arith.shli %bitcast_convert_type3A, %shift_left3A_129 : vector<16xi32>
          %bitcast_convert_type3A_131 = tpu.bitcast %shift_left3A_130 : vector<16xi32> -> vector<16xf32>
          %and3A = arith.constant -65536 : i32
          %and3A_132 = vector.broadcast %and3A : i32 to vector<16xi32>
          %and3A_133 = arith.andi %bitcast_convert_type3A, %and3A_132 : vector<16xi32>
          %bitcast_convert_type3A_134 = tpu.bitcast %and3A_133 : vector<16xi32> -> vector<16xf32>
          %add3A_135 = arith.constant 2048 : i32
          %add3A_136 = arith.addi %add3A_135, %mul3A_108 : i32
          %get3A_137 = arith.index_cast %add3A_136 : i32 to index
          %get3A_138 = tpu.vector_load %arg16[%get3A_137] {strides = array<i32>} : memref<16384xf32, #tpu.memory_space<vmem>>, vector<16xf32>,
          %get3A_139 = vector.shape_cast %get3A_138 : vector<16xf32> to vector<16xf32>
          %bitcast_convert_type3A_140 = tpu.bitcast %get3A_139 : vector<16xf32> -> vector<16xi32>
          %shift_left3A_141 = arith.constant 16 : i32
          %shift_left3A_142 = vector.broadcast %shift_left3A_141 : i32 to vector<16xi32>
          %shift_left3A_143 = arith.shli %bitcast_convert_type3A_140, %shift_left3A_142 : vector<16xi32>
          %bitcast_convert_type3A_144 = tpu.bitcast %shift_left3A_143 : vector<16xi32> -> vector<16xf32>
          %and3A_145 = arith.constant -65536 : i32
          %and3A_146 = vector.broadcast %and3A_145 : i32 to vector<16xi32>
          %and3A_147 = arith.andi %bitcast_convert_type3A_140, %and3A_146 : vector<16xi32>
          %bitcast_convert_type3A_148 = tpu.bitcast %and3A_147 : vector<16xi32> -> vector<16xf32>
          %add3A_149 = arith.constant 4096 : i32
          %add3A_150 = arith.addi %add3A_149, %mul3A_108 : i32
          %get3A_151 = arith.index_cast %add3A_150 : i32 to index
          %get3A_152 = tpu.vector_load %arg16[%get3A_151] {strides = array<i32>} : memref<16384xf32, #tpu.memory_space<vmem>>, vector<16xf32>,
          %get3A_153 = vector.shape_cast %get3A_152 : vector<16xf32> to vector<16xf32>
          %bitcast_convert_type3A_154 = tpu.bitcast %get3A_153 : vector<16xf32> -> vector<16xi32>
          %shift_left3A_155 = arith.constant 16 : i32
          %shift_left3A_156 = vector.broadcast %shift_left3A_155 : i32 to vector<16xi32>
          %shift_left3A_157 = arith.shli %bitcast_convert_type3A_154, %shift_left3A_156 : vector<16xi32>
          %bitcast_convert_type3A_158 = tpu.bitcast %shift_left3A_157 : vector<16xi32> -> vector<16xf32>
          %and3A_159 = arith.constant -65536 : i32
          %and3A_160 = vector.broadcast %and3A_159 : i32 to vector<16xi32>
          %and3A_161 = arith.andi %bitcast_convert_type3A_154, %and3A_160 : vector<16xi32>
          %bitcast_convert_type3A_162 = tpu.bitcast %and3A_161 : vector<16xi32> -> vector<16xf32>
          %add3A_163 = arith.constant 6144 : i32
          %add3A_164 = arith.addi %add3A_163, %mul3A_108 : i32
          %get3A_165 = arith.index_cast %add3A_164 : i32 to index
          %get3A_166 = tpu.vector_load %arg16[%get3A_165] {strides = array<i32>} : memref<16384xf32, #tpu.memory_space<vmem>>, vector<16xf32>,
          %get3A_167 = vector.shape_cast %get3A_166 : vector<16xf32> to vector<16xf32>
          %bitcast_convert_type3A_168 = tpu.bitcast %get3A_167 : vector<16xf32> -> vector<16xi32>
          %shift_left3A_169 = arith.constant 16 : i32
          %shift_left3A_170 = vector.broadcast %shift_left3A_169 : i32 to vector<16xi32>
          %shift_left3A_171 = arith.shli %bitcast_convert_type3A_168, %shift_left3A_170 : vector<16xi32>
          %bitcast_convert_type3A_172 = tpu.bitcast %shift_left3A_171 : vector<16xi32> -> vector<16xf32>
          %and3A_173 = arith.constant -65536 : i32
          %and3A_174 = vector.broadcast %and3A_173 : i32 to vector<16xi32>
          %and3A_175 = arith.andi %bitcast_convert_type3A_168, %and3A_174 : vector<16xi32>
          %bitcast_convert_type3A_176 = tpu.bitcast %and3A_175 : vector<16xi32> -> vector<16xf32>
          %add3A_177 = arith.constant 8192 : i32
          %add3A_178 = arith.addi %add3A_177, %mul3A_108 : i32
          %get3A_179 = arith.index_cast %add3A_178 : i32 to index
          %get3A_180 = tpu.vector_load %arg16[%get3A_179] {strides = array<i32>} : memref<16384xf32, #tpu.memory_space<vmem>>, vector<16xf32>,
          %get3A_181 = vector.shape_cast %get3A_180 : vector<16xf32> to vector<16xf32>
          %bitcast_convert_type3A_182 = tpu.bitcast %get3A_181 : vector<16xf32> -> vector<16xi32>
          %shift_left3A_183 = arith.constant 16 : i32
          %shift_left3A_184 = vector.broadcast %shift_left3A_183 : i32 to vector<16xi32>
          %shift_left3A_185 = arith.shli %bitcast_convert_type3A_182, %shift_left3A_184 : vector<16xi32>
          %bitcast_convert_type3A_186 = tpu.bitcast %shift_left3A_185 : vector<16xi32> -> vector<16xf32>
          %and3A_187 = arith.constant -65536 : i32
          %and3A_188 = vector.broadcast %and3A_187 : i32 to vector<16xi32>
          %and3A_189 = arith.andi %bitcast_convert_type3A_182, %and3A_188 : vector<16xi32>
          %bitcast_convert_type3A_190 = tpu.bitcast %and3A_189 : vector<16xi32> -> vector<16xf32>
          %add3A_191 = arith.constant 10240 : i32
          %add3A_192 = arith.addi %add3A_191, %mul3A_108 : i32
          %get3A_193 = arith.index_cast %add3A_192 : i32 to index
          %get3A_194 = tpu.vector_load %arg16[%get3A_193] {strides = array<i32>} : memref<16384xf32, #tpu.memory_space<vmem>>, vector<16xf32>,
          %get3A_195 = vector.shape_cast %get3A_194 : vector<16xf32> to vector<16xf32>
          %bitcast_convert_type3A_196 = tpu.bitcast %get3A_195 : vector<16xf32> -> vector<16xi32>
          %shift_left3A_197 = arith.constant 16 : i32
          %shift_left3A_198 = vector.broadcast %shift_left3A_197 : i32 to vector<16xi32>
          %shift_left3A_199 = arith.shli %bitcast_convert_type3A_196, %shift_left3A_198 : vector<16xi32>
          %bitcast_convert_type3A_200 = tpu.bitcast %shift_left3A_199 : vector<16xi32> -> vector<16xf32>
          %and3A_201 = arith.constant -65536 : i32
          %and3A_202 = vector.broadcast %and3A_201 : i32 to vector<16xi32>
          %and3A_203 = arith.andi %bitcast_convert_type3A_196, %and3A_202 : vector<16xi32>
          %bitcast_convert_type3A_204 = tpu.bitcast %and3A_203 : vector<16xi32> -> vector<16xf32>
          %add3A_205 = arith.constant 12288 : i32
          %add3A_206 = arith.addi %add3A_205, %mul3A_108 : i32
          %get3A_207 = arith.index_cast %add3A_206 : i32 to index
          %get3A_208 = tpu.vector_load %arg16[%get3A_207] {strides = array<i32>} : memref<16384xf32, #tpu.memory_space<vmem>>, vector<16xf32>,
          %get3A_209 = vector.shape_cast %get3A_208 : vector<16xf32> to vector<16xf32>
          %bitcast_convert_type3A_210 = tpu.bitcast %get3A_209 : vector<16xf32> -> vector<16xi32>
          %shift_left3A_211 = arith.constant 16 : i32
          %shift_left3A_212 = vector.broadcast %shift_left3A_211 : i32 to vector<16xi32>
          %shift_left3A_213 = arith.shli %bitcast_convert_type3A_210, %shift_left3A_212 : vector<16xi32>
          %bitcast_convert_type3A_214 = tpu.bitcast %shift_left3A_213 : vector<16xi32> -> vector<16xf32>
          %and3A_215 = arith.constant -65536 : i32
          %and3A_216 = vector.broadcast %and3A_215 : i32 to vector<16xi32>
          %and3A_217 = arith.andi %bitcast_convert_type3A_210, %and3A_216 : vector<16xi32>
          %bitcast_convert_type3A_218 = tpu.bitcast %and3A_217 : vector<16xi32> -> vector<16xf32>
          %add3A_219 = arith.constant 14336 : i32
          %add3A_220 = arith.addi %add3A_219, %mul3A_108 : i32
          %get3A_221 = arith.index_cast %add3A_220 : i32 to index
          %get3A_222 = tpu.vector_load %arg16[%get3A_221] {strides = array<i32>} : memref<16384xf32, #tpu.memory_space<vmem>>, vector<16xf32>,
          %get3A_223 = vector.shape_cast %get3A_222 : vector<16xf32> to vector<16xf32>
          %bitcast_convert_type3A_224 = tpu.bitcast %get3A_223 : vector<16xf32> -> vector<16xi32>
          %shift_left3A_225 = arith.constant 16 : i32
          %shift_left3A_226 = vector.broadcast %shift_left3A_225 : i32 to vector<16xi32>
          %shift_left3A_227 = arith.shli %bitcast_convert_type3A_224, %shift_left3A_226 : vector<16xi32>
          %bitcast_convert_type3A_228 = tpu.bitcast %shift_left3A_227 : vector<16xi32> -> vector<16xf32>
          %and3A_229 = arith.constant -65536 : i32
          %and3A_230 = vector.broadcast %and3A_229 : i32 to vector<16xi32>
          %and3A_231 = arith.andi %bitcast_convert_type3A_224, %and3A_230 : vector<16xi32>
          %bitcast_convert_type3A_232 = tpu.bitcast %and3A_231 : vector<16xi32> -> vector<16xf32>
          %sub3A = arith.subf %bitcast_convert_type3A_144, %bitcast_convert_type3A_131 : vector<16xf32>
          %mul3A_233 = arith.mulf %get3A_123, %sub3A : vector<16xf32>
          %add3A_234 = arith.addf %bitcast_convert_type3A_131, %mul3A_233 : vector<16xf32>
          %sub3A_235 = arith.subf %bitcast_convert_type3A_172, %bitcast_convert_type3A_158 : vector<16xf32>
          %mul3A_236 = arith.mulf %get3A_123, %sub3A_235 : vector<16xf32>
          %add3A_237 = arith.addf %bitcast_convert_type3A_158, %mul3A_236 : vector<16xf32>
          %sub3A_238 = arith.subf %bitcast_convert_type3A_200, %bitcast_convert_type3A_186 : vector<16xf32>
          %mul3A_239 = arith.mulf %get3A_123, %sub3A_238 : vector<16xf32>
          %add3A_240 = arith.addf %bitcast_convert_type3A_186, %mul3A_239 : vector<16xf32>
          %sub3A_241 = arith.subf %bitcast_convert_type3A_228, %bitcast_convert_type3A_214 : vector<16xf32>
          %mul3A_242 = arith.mulf %get3A_123, %sub3A_241 : vector<16xf32>
          %add3A_243 = arith.addf %bitcast_convert_type3A_214, %mul3A_242 : vector<16xf32>
          %sub3A_244 = arith.subf %add3A_237, %add3A_234 : vector<16xf32>
          %mul3A_245 = arith.mulf %get3A_118, %sub3A_244 : vector<16xf32>
          %add3A_246 = arith.addf %add3A_234, %mul3A_245 : vector<16xf32>
          %sub3A_247 = arith.subf %add3A_243, %add3A_240 : vector<16xf32>
          %mul3A_248 = arith.mulf %get3A_118, %sub3A_247 : vector<16xf32>
          %add3A_249 = arith.addf %add3A_240, %mul3A_248 : vector<16xf32>
          %sub3A_250 = arith.subf %add3A_249, %add3A_246 : vector<16xf32>
          %mul3A_251 = arith.mulf %get3A_113, %sub3A_250 : vector<16xf32>
          %add3A_252 = arith.addf %add3A_246, %mul3A_251 : vector<16xf32>
          %sub3A_253 = arith.subf %bitcast_convert_type3A_148, %bitcast_convert_type3A_134 : vector<16xf32>
          %mul3A_254 = arith.mulf %get3A_123, %sub3A_253 : vector<16xf32>
          %add3A_255 = arith.addf %bitcast_convert_type3A_134, %mul3A_254 : vector<16xf32>
          %sub3A_256 = arith.subf %bitcast_convert_type3A_176, %bitcast_convert_type3A_162 : vector<16xf32>
          %mul3A_257 = arith.mulf %get3A_123, %sub3A_256 : vector<16xf32>
          %add3A_258 = arith.addf %bitcast_convert_type3A_162, %mul3A_257 : vector<16xf32>
          %sub3A_259 = arith.subf %bitcast_convert_type3A_204, %bitcast_convert_type3A_190 : vector<16xf32>
          %mul3A_260 = arith.mulf %get3A_123, %sub3A_259 : vector<16xf32>
          %add3A_261 = arith.addf %bitcast_convert_type3A_190, %mul3A_260 : vector<16xf32>
          %sub3A_262 = arith.subf %bitcast_convert_type3A_232, %bitcast_convert_type3A_218 : vector<16xf32>
          %mul3A_263 = arith.mulf %get3A_123, %sub3A_262 : vector<16xf32>
          %add3A_264 = arith.addf %bitcast_convert_type3A_218, %mul3A_263 : vector<16xf32>
          %sub3A_265 = arith.subf %add3A_258, %add3A_255 : vector<16xf32>
          %mul3A_266 = arith.mulf %get3A_118, %sub3A_265 : vector<16xf32>
          %add3A_267 = arith.addf %add3A_255, %mul3A_266 : vector<16xf32>
          %sub3A_268 = arith.subf %add3A_264, %add3A_261 : vector<16xf32>
          %mul3A_269 = arith.mulf %get3A_118, %sub3A_268 : vector<16xf32>
          %add3A_270 = arith.addf %add3A_261, %mul3A_269 : vector<16xf32>
          %sub3A_271 = arith.subf %add3A_270, %add3A_267 : vector<16xf32>
          %mul3A_272 = arith.mulf %get3A_113, %sub3A_271 : vector<16xf32>
          %add3A_273 = arith.addf %add3A_267, %mul3A_272 : vector<16xf32>
          %swap3A = arith.constant 0 : i32
          %swap3A_274 = arith.index_cast %swap3A : i32 to index
          %swap3A_275 = arith.index_cast %mul3A_108 : i32 to index
          %swap3A_276 = tpu.vector_load %arg18[%swap3A_274, %swap3A_275] {strides = array<i32>} : memref<2x2048xf32, #tpu.memory_space<vmem>>, vector<1x16xf32>,
          %swap3A_277 = vector.shape_cast %swap3A_276 : vector<1x16xf32> to vector<16xf32>
          %swap3A_278 = vector.shape_cast %add3A_252 : vector<16xf32> to vector<1x16xf32>
          tpu.vector_store %arg18[%swap3A_274, %swap3A_275], %swap3A_278 {strides = array<i32>} : memref<2x2048xf32, #tpu.memory_space<vmem>>, vector<1x16xf32>,
          %swap3A_279 = arith.constant 1 : i32
          %swap3A_280 = arith.index_cast %swap3A_279 : i32 to index
          %swap3A_281 = arith.index_cast %mul3A_108 : i32 to index
          %swap3A_282 = tpu.vector_load %arg18[%swap3A_280, %swap3A_281] {strides = array<i32>} : memref<2x2048xf32, #tpu.memory_space<vmem>>, vector<1x16xf32>,
          %swap3A_283 = vector.shape_cast %swap3A_282 : vector<1x16xf32> to vector<16xf32>
          %swap3A_284 = vector.shape_cast %add3A_273 : vector<16xf32> to vector<1x16xf32>
          tpu.vector_store %arg18[%swap3A_280, %swap3A_281], %swap3A_284 {strides = array<i32>} : memref<2x2048xf32, #tpu.memory_space<vmem>>, vector<1x16xf32>,
        }
        %scan3A_74 = arith.constant 128 : i32
        %mul3A_75 = arith.constant 32768 : i32
        %mul3A_76 = arith.muli %add3A, %mul3A_75 : i32
        %mul3A_77 = arith.constant 2048 : i32
        %mul3A_78 = arith.muli %mul3A_42, %mul3A_77 : i32
        %add3A_79 = arith.addi %mul3A_76, %mul3A_78 : i32
        %mul3A_80 = arith.constant 2 : i32
        %mul3A_81 = arith.muli %mul3A_80, %scan3A_6 : i32
        "tpu.region"() ({
          %run_scoped3A = tpu.sem_alloc : memref<!tpu.dma_semaphore, #tpu.memory_space<semaphore_mem>>
          %dma_start3A_106 = tpu.memref_slice %arg7[%mul3A_81, %add3A_79] : memref<32x1048576xf32, #tpu.memory_space<hbm>> -> memref<2x2048xf32, #tpu.memory_space<hbm>>
          %dma_start3A_107 = tpu.memref_slice %arg7[%mul3A_81, %add3A_79] : memref<32x1048576xf32, #tpu.memory_space<hbm>> -> memref<2x2048xf32, #tpu.memory_space<hbm>>
          tpu.enqueue_dma source(%arg18 : memref<2x2048xf32, #tpu.memory_space<vmem>>) target(%dma_start3A_107 : memref<2x2048xf32, #tpu.memory_space<hbm>>) target_semaphore(%run_scoped3A : memref<!tpu.dma_semaphore, #tpu.memory_space<semaphore_mem>>)
          %dma_wait3A_108 = tpu.memref_slice %arg7[%mul3A_81, %add3A_79] : memref<32x1048576xf32, #tpu.memory_space<hbm>> -> memref<2x2048xf32, #tpu.memory_space<hbm>>
          %dma_wait3A_109 = tpu.memref_slice %arg7[%mul3A_81, %add3A_79] : memref<32x1048576xf32, #tpu.memory_space<hbm>> -> memref<2x2048xf32, #tpu.memory_space<hbm>>
          tpu.wait_dma2 semaphore(%run_scoped3A : memref<!tpu.dma_semaphore, #tpu.memory_space<semaphore_mem>>) src(%arg18 : memref<2x2048xf32, #tpu.memory_space<vmem>>) dst(%dma_wait3A_109 : memref<2x2048xf32, #tpu.memory_space<hbm>>)
          tpu.yield
        }) : () -> ()
        %add3A_82 = arith.constant 1 : i32
        %add3A_83 = arith.addi %add3A_44, %add3A_82 : i32
        %lt3A = arith.constant 16 : i32
        %lt3A_84 = arith.cmpi slt, %add3A_83, %lt3A : i32
        %convert_element_type3A = arith.extui %lt3A_84 : i1 to i32
        %cond3A = arith.constant 0 : i32
        %cond3A_85 = arith.cmpi ne, %convert_element_type3A, %cond3A : i32
        scf.if %cond3A_85 {
          %add3A_106 = arith.constant 1 : i32
          %add3A_107 = arith.addi %add3A_44, %add3A_106 : i32
          %mul3A_108 = arith.constant 32768 : i32
          %mul3A_109 = arith.muli %add3A, %mul3A_108 : i32
          %mul3A_110 = arith.constant 2048 : i32
          %mul3A_111 = arith.muli %add3A_107, %mul3A_110 : i32
          %add3A_112 = arith.addi %mul3A_109, %mul3A_111 : i32
          "tpu.region"() ({
            %run_scoped3A = tpu.sem_alloc : memref<!tpu.dma_semaphore, #tpu.memory_space<semaphore_mem>>
            %dma_start3A_126 = tpu.memref_slice %arg2[%add3A_112] : memref<1048576xf32, #tpu.memory_space<hbm>> -> memref<2048xf32, #tpu.memory_space<hbm>>
            %dma_start3A_127 = tpu.memref_slice %arg2[%add3A_112] : memref<1048576xf32, #tpu.memory_space<hbm>> -> memref<2048xf32, #tpu.memory_space<hbm>>
            tpu.enqueue_dma source(%dma_start3A_127 : memref<2048xf32, #tpu.memory_space<hbm>>) target(%arg8 : memref<2048xf32, #tpu.memory_space<vmem>>) target_semaphore(%run_scoped3A : memref<!tpu.dma_semaphore, #tpu.memory_space<semaphore_mem>>)
            %dma_wait3A_128 = tpu.memref_slice %arg2[%add3A_112] : memref<1048576xf32, #tpu.memory_space<hbm>> -> memref<2048xf32, #tpu.memory_space<hbm>>
            %dma_wait3A_129 = tpu.memref_slice %arg2[%add3A_112] : memref<1048576xf32, #tpu.memory_space<hbm>> -> memref<2048xf32, #tpu.memory_space<hbm>>
            tpu.wait_dma2 semaphore(%run_scoped3A : memref<!tpu.dma_semaphore, #tpu.memory_space<semaphore_mem>>) src(%dma_wait3A_129 : memref<2048xf32, #tpu.memory_space<hbm>>) dst(%arg8 : memref<2048xf32, #tpu.memory_space<vmem>>)
            tpu.yield
          }) : () -> ()
          "tpu.region"() ({
            %run_scoped3A = tpu.sem_alloc : memref<!tpu.dma_semaphore, #tpu.memory_space<semaphore_mem>>
            %dma_start3A_126 = tpu.memref_slice %arg3[%add3A_112] : memref<1048576xf32, #tpu.memory_space<hbm>> -> memref<2048xf32, #tpu.memory_space<hbm>>
            %dma_start3A_127 = tpu.memref_slice %arg3[%add3A_112] : memref<1048576xf32, #tpu.memory_space<hbm>> -> memref<2048xf32, #tpu.memory_space<hbm>>
            tpu.enqueue_dma source(%dma_start3A_127 : memref<2048xf32, #tpu.memory_space<hbm>>) target(%arg9 : memref<2048xf32, #tpu.memory_space<vmem>>) target_semaphore(%run_scoped3A : memref<!tpu.dma_semaphore, #tpu.memory_space<semaphore_mem>>)
            %dma_wait3A_128 = tpu.memref_slice %arg3[%add3A_112] : memref<1048576xf32, #tpu.memory_space<hbm>> -> memref<2048xf32, #tpu.memory_space<hbm>>
            %dma_wait3A_129 = tpu.memref_slice %arg3[%add3A_112] : memref<1048576xf32, #tpu.memory_space<hbm>> -> memref<2048xf32, #tpu.memory_space<hbm>>
            tpu.wait_dma2 semaphore(%run_scoped3A : memref<!tpu.dma_semaphore, #tpu.memory_space<semaphore_mem>>) src(%dma_wait3A_129 : memref<2048xf32, #tpu.memory_space<hbm>>) dst(%arg9 : memref<2048xf32, #tpu.memory_space<vmem>>)
            tpu.yield
          }) : () -> ()
          "tpu.region"() ({
            %run_scoped3A = tpu.sem_alloc : memref<!tpu.dma_semaphore, #tpu.memory_space<semaphore_mem>>
            %dma_start3A_126 = tpu.memref_slice %arg4[%add3A_112] : memref<1048576xf32, #tpu.memory_space<hbm>> -> memref<2048xf32, #tpu.memory_space<hbm>>
            %dma_start3A_127 = tpu.memref_slice %arg4[%add3A_112] : memref<1048576xf32, #tpu.memory_space<hbm>> -> memref<2048xf32, #tpu.memory_space<hbm>>
            tpu.enqueue_dma source(%dma_start3A_127 : memref<2048xf32, #tpu.memory_space<hbm>>) target(%arg10 : memref<2048xf32, #tpu.memory_space<vmem>>) target_semaphore(%run_scoped3A : memref<!tpu.dma_semaphore, #tpu.memory_space<semaphore_mem>>)
            %dma_wait3A_128 = tpu.memref_slice %arg4[%add3A_112] : memref<1048576xf32, #tpu.memory_space<hbm>> -> memref<2048xf32, #tpu.memory_space<hbm>>
            %dma_wait3A_129 = tpu.memref_slice %arg4[%add3A_112] : memref<1048576xf32, #tpu.memory_space<hbm>> -> memref<2048xf32, #tpu.memory_space<hbm>>
            tpu.wait_dma2 semaphore(%run_scoped3A : memref<!tpu.dma_semaphore, #tpu.memory_space<semaphore_mem>>) src(%dma_wait3A_129 : memref<2048xf32, #tpu.memory_space<hbm>>) dst(%arg10 : memref<2048xf32, #tpu.memory_space<vmem>>)
            tpu.yield
          }) : () -> ()
          %scan3A_113 = arith.constant 0 : i32
          %scan3A_114 = arith.constant 0 : i32
          %scan3A_115 = arith.constant 128 : i32
          %scan3A_116 = arith.addi %scan3A_114, %scan3A_115 : i32
          %scan3A_117 = arith.constant 1 : i32
          scf.for %scan3A_126 = %scan3A_114 to %scan3A_116 step %scan3A_117  : i32 {
            %mul3A_127 = arith.constant 16 : i32
            %mul3A_128 = arith.muli %scan3A_126, %mul3A_127 : i32
            %get3A_129 = arith.index_cast %mul3A_128 : i32 to index
            %get3A_130 = tpu.vector_load %arg8[%get3A_129] {strides = array<i32>} : memref<2048xf32, #tpu.memory_space<vmem>>, vector<16xf32>,
            %get3A_131 = vector.shape_cast %get3A_130 : vector<16xf32> to vector<16xf32>
            %mul3A_132 = arith.mulf %get3A_131, %get3A_16 : vector<16xf32>
            %get3A_133 = arith.index_cast %mul3A_128 : i32 to index
            %get3A_134 = tpu.vector_load %arg9[%get3A_133] {strides = array<i32>} : memref<2048xf32, #tpu.memory_space<vmem>>, vector<16xf32>,
            %get3A_135 = vector.shape_cast %get3A_134 : vector<16xf32> to vector<16xf32>
            %mul3A_136 = arith.mulf %get3A_135, %get3A_16 : vector<16xf32>
            %get3A_137 = arith.index_cast %mul3A_128 : i32 to index
            %get3A_138 = tpu.vector_load %arg10[%get3A_137] {strides = array<i32>} : memref<2048xf32, #tpu.memory_space<vmem>>, vector<16xf32>,
            %get3A_139 = vector.shape_cast %get3A_138 : vector<16xf32> to vector<16xf32>
            %mul3A_140 = arith.mulf %get3A_139, %get3A_16 : vector<16xf32>
            %convert_element_type3A_141 = arith.fptosi %mul3A_132 : vector<16xf32> to vector<16xi32>
            %convert_element_type3A_142 = arith.fptosi %mul3A_136 : vector<16xf32> to vector<16xi32>
            %convert_element_type3A_143 = arith.fptosi %mul3A_140 : vector<16xf32> to vector<16xi32>
            %convert_element_type3A_144 = arith.sitofp %convert_element_type3A_141 : vector<16xi32> to vector<16xf32>
            %sub3A = arith.subf %mul3A_132, %convert_element_type3A_144 : vector<16xf32>
            %swap3A = arith.constant 0 : i32
            %swap3A_145 = arith.index_cast %swap3A : i32 to index
            %swap3A_146 = arith.index_cast %mul3A_128 : i32 to index
            %swap3A_147 = tpu.vector_load %arg12[%swap3A_145, %swap3A_146] {strides = array<i32>} : memref<3x2048xf32, #tpu.memory_space<vmem>>, vector<1x16xf32>,
            %swap3A_148 = vector.shape_cast %swap3A_147 : vector<1x16xf32> to vector<16xf32>
            %swap3A_149 = vector.shape_cast %sub3A : vector<16xf32> to vector<1x16xf32>
            tpu.vector_store %arg12[%swap3A_145, %swap3A_146], %swap3A_149 {strides = array<i32>} : memref<3x2048xf32, #tpu.memory_space<vmem>>, vector<1x16xf32>,
            %convert_element_type3A_150 = arith.sitofp %convert_element_type3A_142 : vector<16xi32> to vector<16xf32>
            %sub3A_151 = arith.subf %mul3A_136, %convert_element_type3A_150 : vector<16xf32>
            %swap3A_152 = arith.constant 1 : i32
            %swap3A_153 = arith.index_cast %swap3A_152 : i32 to index
            %swap3A_154 = arith.index_cast %mul3A_128 : i32 to index
            %swap3A_155 = tpu.vector_load %arg12[%swap3A_153, %swap3A_154] {strides = array<i32>} : memref<3x2048xf32, #tpu.memory_space<vmem>>, vector<1x16xf32>,
            %swap3A_156 = vector.shape_cast %swap3A_155 : vector<1x16xf32> to vector<16xf32>
            %swap3A_157 = vector.shape_cast %sub3A_151 : vector<16xf32> to vector<1x16xf32>
            tpu.vector_store %arg12[%swap3A_153, %swap3A_154], %swap3A_157 {strides = array<i32>} : memref<3x2048xf32, #tpu.memory_space<vmem>>, vector<1x16xf32>,
            %convert_element_type3A_158 = arith.sitofp %convert_element_type3A_143 : vector<16xi32> to vector<16xf32>
            %sub3A_159 = arith.subf %mul3A_140, %convert_element_type3A_158 : vector<16xf32>
            %swap3A_160 = arith.constant 2 : i32
            %swap3A_161 = arith.index_cast %swap3A_160 : i32 to index
            %swap3A_162 = arith.index_cast %mul3A_128 : i32 to index
            %swap3A_163 = tpu.vector_load %arg12[%swap3A_161, %swap3A_162] {strides = array<i32>} : memref<3x2048xf32, #tpu.memory_space<vmem>>, vector<1x16xf32>,
            %swap3A_164 = vector.shape_cast %swap3A_163 : vector<1x16xf32> to vector<16xf32>
            %swap3A_165 = vector.shape_cast %sub3A_159 : vector<16xf32> to vector<1x16xf32>
            tpu.vector_store %arg12[%swap3A_161, %swap3A_162], %swap3A_165 {strides = array<i32>} : memref<3x2048xf32, #tpu.memory_space<vmem>>, vector<1x16xf32>,
            %mul3A_166 = arith.constant -1640531535 : i32
            %mul3A_167 = vector.broadcast %mul3A_166 : i32 to vector<16xi32>
            %mul3A_168 = arith.muli %convert_element_type3A_142, %mul3A_167 : vector<16xi32>
            %mul3A_169 = arith.constant 805459861 : i32
            %mul3A_170 = vector.broadcast %mul3A_169 : i32 to vector<16xi32>
            %mul3A_171 = arith.muli %convert_element_type3A_143, %mul3A_170 : vector<16xi32>
            %add3A_172 = arith.constant 1 : i32
            %add3A_173 = vector.broadcast %add3A_172 : i32 to vector<16xi32>
            %add3A_174 = arith.addi %convert_element_type3A_141, %add3A_173 : vector<16xi32>
            %add3A_175 = arith.constant -1640531535 : i32
            %add3A_176 = vector.broadcast %add3A_175 : i32 to vector<16xi32>
            %add3A_177 = arith.addi %mul3A_168, %add3A_176 : vector<16xi32>
            %add3A_178 = arith.constant 805459861 : i32
            %add3A_179 = vector.broadcast %add3A_178 : i32 to vector<16xi32>
            %add3A_180 = arith.addi %mul3A_171, %add3A_179 : vector<16xi32>
            %xor3A = arith.xori %convert_element_type3A_141, %mul3A_168 : vector<16xi32>
            %xor3A_181 = arith.xori %xor3A, %mul3A_171 : vector<16xi32>
            %and3A = arith.constant 524287 : i32
            %and3A_182 = vector.broadcast %and3A : i32 to vector<16xi32>
            %and3A_183 = arith.andi %xor3A_181, %and3A_182 : vector<16xi32>
            %add3A_184 = arith.constant 0 : i32
            %add3A_185 = arith.addi %add3A_184, %mul3A_128 : i32
            %swap3A_186 = arith.constant 0 : i32
            %swap3A_187 = arith.constant 0 : i32
            %swap3A_188 = arith.index_cast %swap3A_186 : i32 to index
            %swap3A_189 = arith.index_cast %swap3A_187 : i32 to index
            %swap3A_190 = arith.index_cast %add3A_185 : i32 to index
            %swap3A_191 = tpu.vector_load %arg14[%swap3A_188, %swap3A_189, %swap3A_190] {strides = array<i32>} : memref<1x1x16384xi32, #tpu.memory_space<vmem>>, vector<1x1x16xi32>,
            %swap3A_192 = vector.shape_cast %swap3A_191 : vector<1x1x16xi32> to vector<16xi32>
            %swap3A_193 = vector.shape_cast %and3A_183 : vector<16xi32> to vector<1x1x16xi32>
            tpu.vector_store %arg14[%swap3A_188, %swap3A_189, %swap3A_190], %swap3A_193 {strides = array<i32>} : memref<1x1x16384xi32, #tpu.memory_space<vmem>>, vector<1x1x16xi32>,
            %xor3A_194 = arith.xori %convert_element_type3A_141, %mul3A_168 : vector<16xi32>
            %xor3A_195 = arith.xori %xor3A_194, %add3A_180 : vector<16xi32>
            %and3A_196 = arith.constant 524287 : i32
            %and3A_197 = vector.broadcast %and3A_196 : i32 to vector<16xi32>
            %and3A_198 = arith.andi %xor3A_195, %and3A_197 : vector<16xi32>
            %add3A_199 = arith.constant 2048 : i32
            %add3A_200 = arith.addi %add3A_199, %mul3A_128 : i32
            %swap3A_201 = arith.constant 0 : i32
            %swap3A_202 = arith.constant 0 : i32
            %swap3A_203 = arith.index_cast %swap3A_201 : i32 to index
            %swap3A_204 = arith.index_cast %swap3A_202 : i32 to index
            %swap3A_205 = arith.index_cast %add3A_200 : i32 to index
            %swap3A_206 = tpu.vector_load %arg14[%swap3A_203, %swap3A_204, %swap3A_205] {strides = array<i32>} : memref<1x1x16384xi32, #tpu.memory_space<vmem>>, vector<1x1x16xi32>,
            %swap3A_207 = vector.shape_cast %swap3A_206 : vector<1x1x16xi32> to vector<16xi32>
            %swap3A_208 = vector.shape_cast %and3A_198 : vector<16xi32> to vector<1x1x16xi32>
            tpu.vector_store %arg14[%swap3A_203, %swap3A_204, %swap3A_205], %swap3A_208 {strides = array<i32>} : memref<1x1x16384xi32, #tpu.memory_space<vmem>>, vector<1x1x16xi32>,
            %xor3A_209 = arith.xori %convert_element_type3A_141, %add3A_177 : vector<16xi32>
            %xor3A_210 = arith.xori %xor3A_209, %mul3A_171 : vector<16xi32>
            %and3A_211 = arith.constant 524287 : i32
            %and3A_212 = vector.broadcast %and3A_211 : i32 to vector<16xi32>
            %and3A_213 = arith.andi %xor3A_210, %and3A_212 : vector<16xi32>
            %add3A_214 = arith.constant 4096 : i32
            %add3A_215 = arith.addi %add3A_214, %mul3A_128 : i32
            %swap3A_216 = arith.constant 0 : i32
            %swap3A_217 = arith.constant 0 : i32
            %swap3A_218 = arith.index_cast %swap3A_216 : i32 to index
            %swap3A_219 = arith.index_cast %swap3A_217 : i32 to index
            %swap3A_220 = arith.index_cast %add3A_215 : i32 to index
            %swap3A_221 = tpu.vector_load %arg14[%swap3A_218, %swap3A_219, %swap3A_220] {strides = array<i32>} : memref<1x1x16384xi32, #tpu.memory_space<vmem>>, vector<1x1x16xi32>,
            %swap3A_222 = vector.shape_cast %swap3A_221 : vector<1x1x16xi32> to vector<16xi32>
            %swap3A_223 = vector.shape_cast %and3A_213 : vector<16xi32> to vector<1x1x16xi32>
            tpu.vector_store %arg14[%swap3A_218, %swap3A_219, %swap3A_220], %swap3A_223 {strides = array<i32>} : memref<1x1x16384xi32, #tpu.memory_space<vmem>>, vector<1x1x16xi32>,
            %xor3A_224 = arith.xori %convert_element_type3A_141, %add3A_177 : vector<16xi32>
            %xor3A_225 = arith.xori %xor3A_224, %add3A_180 : vector<16xi32>
            %and3A_226 = arith.constant 524287 : i32
            %and3A_227 = vector.broadcast %and3A_226 : i32 to vector<16xi32>
            %and3A_228 = arith.andi %xor3A_225, %and3A_227 : vector<16xi32>
            %add3A_229 = arith.constant 6144 : i32
            %add3A_230 = arith.addi %add3A_229, %mul3A_128 : i32
            %swap3A_231 = arith.constant 0 : i32
            %swap3A_232 = arith.constant 0 : i32
            %swap3A_233 = arith.index_cast %swap3A_231 : i32 to index
            %swap3A_234 = arith.index_cast %swap3A_232 : i32 to index
            %swap3A_235 = arith.index_cast %add3A_230 : i32 to index
            %swap3A_236 = tpu.vector_load %arg14[%swap3A_233, %swap3A_234, %swap3A_235] {strides = array<i32>} : memref<1x1x16384xi32, #tpu.memory_space<vmem>>, vector<1x1x16xi32>,
            %swap3A_237 = vector.shape_cast %swap3A_236 : vector<1x1x16xi32> to vector<16xi32>
            %swap3A_238 = vector.shape_cast %and3A_228 : vector<16xi32> to vector<1x1x16xi32>
            tpu.vector_store %arg14[%swap3A_233, %swap3A_234, %swap3A_235], %swap3A_238 {strides = array<i32>} : memref<1x1x16384xi32, #tpu.memory_space<vmem>>, vector<1x1x16xi32>,
            %xor3A_239 = arith.xori %add3A_174, %mul3A_168 : vector<16xi32>
            %xor3A_240 = arith.xori %xor3A_239, %mul3A_171 : vector<16xi32>
            %and3A_241 = arith.constant 524287 : i32
            %and3A_242 = vector.broadcast %and3A_241 : i32 to vector<16xi32>
            %and3A_243 = arith.andi %xor3A_240, %and3A_242 : vector<16xi32>
            %add3A_244 = arith.constant 8192 : i32
            %add3A_245 = arith.addi %add3A_244, %mul3A_128 : i32
            %swap3A_246 = arith.constant 0 : i32
            %swap3A_247 = arith.constant 0 : i32
            %swap3A_248 = arith.index_cast %swap3A_246 : i32 to index
            %swap3A_249 = arith.index_cast %swap3A_247 : i32 to index
            %swap3A_250 = arith.index_cast %add3A_245 : i32 to index
            %swap3A_251 = tpu.vector_load %arg14[%swap3A_248, %swap3A_249, %swap3A_250] {strides = array<i32>} : memref<1x1x16384xi32, #tpu.memory_space<vmem>>, vector<1x1x16xi32>,
            %swap3A_252 = vector.shape_cast %swap3A_251 : vector<1x1x16xi32> to vector<16xi32>
            %swap3A_253 = vector.shape_cast %and3A_243 : vector<16xi32> to vector<1x1x16xi32>
            tpu.vector_store %arg14[%swap3A_248, %swap3A_249, %swap3A_250], %swap3A_253 {strides = array<i32>} : memref<1x1x16384xi32, #tpu.memory_space<vmem>>, vector<1x1x16xi32>,
            %xor3A_254 = arith.xori %add3A_174, %mul3A_168 : vector<16xi32>
            %xor3A_255 = arith.xori %xor3A_254, %add3A_180 : vector<16xi32>
            %and3A_256 = arith.constant 524287 : i32
            %and3A_257 = vector.broadcast %and3A_256 : i32 to vector<16xi32>
            %and3A_258 = arith.andi %xor3A_255, %and3A_257 : vector<16xi32>
            %add3A_259 = arith.constant 10240 : i32
            %add3A_260 = arith.addi %add3A_259, %mul3A_128 : i32
            %swap3A_261 = arith.constant 0 : i32
            %swap3A_262 = arith.constant 0 : i32
            %swap3A_263 = arith.index_cast %swap3A_261 : i32 to index
            %swap3A_264 = arith.index_cast %swap3A_262 : i32 to index
            %swap3A_265 = arith.index_cast %add3A_260 : i32 to index
            %swap3A_266 = tpu.vector_load %arg14[%swap3A_263, %swap3A_264, %swap3A_265] {strides = array<i32>} : memref<1x1x16384xi32, #tpu.memory_space<vmem>>, vector<1x1x16xi32>,
            %swap3A_267 = vector.shape_cast %swap3A_266 : vector<1x1x16xi32> to vector<16xi32>
            %swap3A_268 = vector.shape_cast %and3A_258 : vector<16xi32> to vector<1x1x16xi32>
            tpu.vector_store %arg14[%swap3A_263, %swap3A_264, %swap3A_265], %swap3A_268 {strides = array<i32>} : memref<1x1x16384xi32, #tpu.memory_space<vmem>>, vector<1x1x16xi32>,
            %xor3A_269 = arith.xori %add3A_174, %add3A_177 : vector<16xi32>
            %xor3A_270 = arith.xori %xor3A_269, %mul3A_171 : vector<16xi32>
            %and3A_271 = arith.constant 524287 : i32
            %and3A_272 = vector.broadcast %and3A_271 : i32 to vector<16xi32>
            %and3A_273 = arith.andi %xor3A_270, %and3A_272 : vector<16xi32>
            %add3A_274 = arith.constant 12288 : i32
            %add3A_275 = arith.addi %add3A_274, %mul3A_128 : i32
            %swap3A_276 = arith.constant 0 : i32
            %swap3A_277 = arith.constant 0 : i32
            %swap3A_278 = arith.index_cast %swap3A_276 : i32 to index
            %swap3A_279 = arith.index_cast %swap3A_277 : i32 to index
            %swap3A_280 = arith.index_cast %add3A_275 : i32 to index
            %swap3A_281 = tpu.vector_load %arg14[%swap3A_278, %swap3A_279, %swap3A_280] {strides = array<i32>} : memref<1x1x16384xi32, #tpu.memory_space<vmem>>, vector<1x1x16xi32>,
            %swap3A_282 = vector.shape_cast %swap3A_281 : vector<1x1x16xi32> to vector<16xi32>
            %swap3A_283 = vector.shape_cast %and3A_273 : vector<16xi32> to vector<1x1x16xi32>
            tpu.vector_store %arg14[%swap3A_278, %swap3A_279, %swap3A_280], %swap3A_283 {strides = array<i32>} : memref<1x1x16384xi32, #tpu.memory_space<vmem>>, vector<1x1x16xi32>,
            %xor3A_284 = arith.xori %add3A_174, %add3A_177 : vector<16xi32>
            %xor3A_285 = arith.xori %xor3A_284, %add3A_180 : vector<16xi32>
            %and3A_286 = arith.constant 524287 : i32
            %and3A_287 = vector.broadcast %and3A_286 : i32 to vector<16xi32>
            %and3A_288 = arith.andi %xor3A_285, %and3A_287 : vector<16xi32>
            %add3A_289 = arith.constant 14336 : i32
            %add3A_290 = arith.addi %add3A_289, %mul3A_128 : i32
            %swap3A_291 = arith.constant 0 : i32
            %swap3A_292 = arith.constant 0 : i32
            %swap3A_293 = arith.index_cast %swap3A_291 : i32 to index
            %swap3A_294 = arith.index_cast %swap3A_292 : i32 to index
            %swap3A_295 = arith.index_cast %add3A_290 : i32 to index
            %swap3A_296 = tpu.vector_load %arg14[%swap3A_293, %swap3A_294, %swap3A_295] {strides = array<i32>} : memref<1x1x16384xi32, #tpu.memory_space<vmem>>, vector<1x1x16xi32>,
            %swap3A_297 = vector.shape_cast %swap3A_296 : vector<1x1x16xi32> to vector<16xi32>
            %swap3A_298 = vector.shape_cast %and3A_288 : vector<16xi32> to vector<1x1x16xi32>
            tpu.vector_store %arg14[%swap3A_293, %swap3A_294, %swap3A_295], %swap3A_298 {strides = array<i32>} : memref<1x1x16384xi32, #tpu.memory_space<vmem>>, vector<1x1x16xi32>,
          }
          %scan3A_118 = arith.constant 128 : i32
          %dma_start3A_119 = arith.constant 0 : i32
          %dma_start3A_120 = arith.constant 0 : i32
          %dma_start3A_121 = arith.constant 0 : i32
          %dma_start3A_122 = tpu.memref_slice %arg14[%dma_start3A_119, %dma_start3A_120, %dma_start3A_121] : memref<1x1x16384xi32, #tpu.memory_space<vmem>> -> memref<1x1x16384xi32, #tpu.memory_space<vmem>>
          %dma_start3A_123 = tpu.memref_squeeze %dma_start3A_122 : memref<1x1x16384xi32, #tpu.memory_space<vmem>> -> memref<16384xi32, #tpu.memory_space<vmem>>
          %dma_start3A_124 = arith.constant 0 : i32
          %dma_start3A_125 = tpu.memref_slice %arg19[%dma_start3A_124] : memref<524288xf32, #tpu.memory_space<vmem_shared>> -> memref<524288xf32, #tpu.memory_space<vmem_shared>>
          tpu.enqueue_indirect_dma source(%dma_start3A_125 : memref<524288xf32, #tpu.memory_space<vmem_shared>>) target(%arg16 : memref<16384xf32, #tpu.memory_space<vmem>>) offsets(%dma_start3A_123 : memref<16384xi32, #tpu.memory_space<vmem>>) semaphore(%arg20 : memref<!tpu.dma_semaphore, #tpu.memory_space<semaphore_mem>>)
        } else {
        }
        %dma_wait3A_86 = arith.constant 0 : i32
        %dma_wait3A_87 = arith.constant 0 : i32
        %dma_wait3A_88 = arith.constant 0 : i32
        %dma_wait3A_89 = tpu.memref_slice %arg15[%dma_wait3A_86, %dma_wait3A_87, %dma_wait3A_88] : memref<1x1x16384xi32, #tpu.memory_space<vmem>> -> memref<1x1x16384xi32, #tpu.memory_space<vmem>>
        %dma_wait3A_90 = tpu.memref_squeeze %dma_wait3A_89 : memref<1x1x16384xi32, #tpu.memory_space<vmem>> -> memref<16384xi32, #tpu.memory_space<vmem>>
        %dma_wait3A_91 = arith.constant 0 : i32
        %dma_wait3A_92 = tpu.memref_slice %arg19[%dma_wait3A_91] : memref<524288xf32, #tpu.memory_space<vmem_shared>> -> memref<524288xf32, #tpu.memory_space<vmem_shared>>
        tpu.wait_indirect_dma semaphore(%arg21 : memref<!tpu.dma_semaphore, #tpu.memory_space<semaphore_mem>>) src(%dma_wait3A_92 : memref<524288xf32, #tpu.memory_space<vmem_shared>>) dst(%arg17 : memref<16384xf32, #tpu.memory_space<vmem>>)
        %scan3A_93 = arith.constant 0 : i32
        %scan3A_94 = arith.constant 0 : i32
        %scan3A_95 = arith.constant 128 : i32
        %scan3A_96 = arith.addi %scan3A_94, %scan3A_95 : i32
        %scan3A_97 = arith.constant 1 : i32
        scf.for %scan3A_106 = %scan3A_94 to %scan3A_96 step %scan3A_97  : i32 {
          %mul3A_107 = arith.constant 16 : i32
          %mul3A_108 = arith.muli %scan3A_106, %mul3A_107 : i32
          %get3A_109 = arith.constant 0 : i32
          %get3A_110 = arith.index_cast %get3A_109 : i32 to index
          %get3A_111 = arith.index_cast %mul3A_108 : i32 to index
          %get3A_112 = tpu.vector_load %arg13[%get3A_110, %get3A_111] {strides = array<i32>} : memref<3x2048xf32, #tpu.memory_space<vmem>>, vector<1x16xf32>,
          %get3A_113 = vector.shape_cast %get3A_112 : vector<1x16xf32> to vector<16xf32>
          %get3A_114 = arith.constant 1 : i32
          %get3A_115 = arith.index_cast %get3A_114 : i32 to index
          %get3A_116 = arith.index_cast %mul3A_108 : i32 to index
          %get3A_117 = tpu.vector_load %arg13[%get3A_115, %get3A_116] {strides = array<i32>} : memref<3x2048xf32, #tpu.memory_space<vmem>>, vector<1x16xf32>,
          %get3A_118 = vector.shape_cast %get3A_117 : vector<1x16xf32> to vector<16xf32>
          %get3A_119 = arith.constant 2 : i32
          %get3A_120 = arith.index_cast %get3A_119 : i32 to index
          %get3A_121 = arith.index_cast %mul3A_108 : i32 to index
          %get3A_122 = tpu.vector_load %arg13[%get3A_120, %get3A_121] {strides = array<i32>} : memref<3x2048xf32, #tpu.memory_space<vmem>>, vector<1x16xf32>,
          %get3A_123 = vector.shape_cast %get3A_122 : vector<1x16xf32> to vector<16xf32>
          %add3A_124 = arith.constant 0 : i32
          %add3A_125 = arith.addi %add3A_124, %mul3A_108 : i32
          %get3A_126 = arith.index_cast %add3A_125 : i32 to index
          %get3A_127 = tpu.vector_load %arg17[%get3A_126] {strides = array<i32>} : memref<16384xf32, #tpu.memory_space<vmem>>, vector<16xf32>,
          %get3A_128 = vector.shape_cast %get3A_127 : vector<16xf32> to vector<16xf32>
          %bitcast_convert_type3A = tpu.bitcast %get3A_128 : vector<16xf32> -> vector<16xi32>
          %shift_left3A = arith.constant 16 : i32
          %shift_left3A_129 = vector.broadcast %shift_left3A : i32 to vector<16xi32>
          %shift_left3A_130 = arith.shli %bitcast_convert_type3A, %shift_left3A_129 : vector<16xi32>
          %bitcast_convert_type3A_131 = tpu.bitcast %shift_left3A_130 : vector<16xi32> -> vector<16xf32>
          %and3A = arith.constant -65536 : i32
          %and3A_132 = vector.broadcast %and3A : i32 to vector<16xi32>
          %and3A_133 = arith.andi %bitcast_convert_type3A, %and3A_132 : vector<16xi32>
          %bitcast_convert_type3A_134 = tpu.bitcast %and3A_133 : vector<16xi32> -> vector<16xf32>
          %add3A_135 = arith.constant 2048 : i32
          %add3A_136 = arith.addi %add3A_135, %mul3A_108 : i32
          %get3A_137 = arith.index_cast %add3A_136 : i32 to index
          %get3A_138 = tpu.vector_load %arg17[%get3A_137] {strides = array<i32>} : memref<16384xf32, #tpu.memory_space<vmem>>, vector<16xf32>,
          %get3A_139 = vector.shape_cast %get3A_138 : vector<16xf32> to vector<16xf32>
          %bitcast_convert_type3A_140 = tpu.bitcast %get3A_139 : vector<16xf32> -> vector<16xi32>
          %shift_left3A_141 = arith.constant 16 : i32
          %shift_left3A_142 = vector.broadcast %shift_left3A_141 : i32 to vector<16xi32>
          %shift_left3A_143 = arith.shli %bitcast_convert_type3A_140, %shift_left3A_142 : vector<16xi32>
          %bitcast_convert_type3A_144 = tpu.bitcast %shift_left3A_143 : vector<16xi32> -> vector<16xf32>
          %and3A_145 = arith.constant -65536 : i32
          %and3A_146 = vector.broadcast %and3A_145 : i32 to vector<16xi32>
          %and3A_147 = arith.andi %bitcast_convert_type3A_140, %and3A_146 : vector<16xi32>
          %bitcast_convert_type3A_148 = tpu.bitcast %and3A_147 : vector<16xi32> -> vector<16xf32>
          %add3A_149 = arith.constant 4096 : i32
          %add3A_150 = arith.addi %add3A_149, %mul3A_108 : i32
          %get3A_151 = arith.index_cast %add3A_150 : i32 to index
          %get3A_152 = tpu.vector_load %arg17[%get3A_151] {strides = array<i32>} : memref<16384xf32, #tpu.memory_space<vmem>>, vector<16xf32>,
          %get3A_153 = vector.shape_cast %get3A_152 : vector<16xf32> to vector<16xf32>
          %bitcast_convert_type3A_154 = tpu.bitcast %get3A_153 : vector<16xf32> -> vector<16xi32>
          %shift_left3A_155 = arith.constant 16 : i32
          %shift_left3A_156 = vector.broadcast %shift_left3A_155 : i32 to vector<16xi32>
          %shift_left3A_157 = arith.shli %bitcast_convert_type3A_154, %shift_left3A_156 : vector<16xi32>
          %bitcast_convert_type3A_158 = tpu.bitcast %shift_left3A_157 : vector<16xi32> -> vector<16xf32>
          %and3A_159 = arith.constant -65536 : i32
          %and3A_160 = vector.broadcast %and3A_159 : i32 to vector<16xi32>
          %and3A_161 = arith.andi %bitcast_convert_type3A_154, %and3A_160 : vector<16xi32>
          %bitcast_convert_type3A_162 = tpu.bitcast %and3A_161 : vector<16xi32> -> vector<16xf32>
          %add3A_163 = arith.constant 6144 : i32
          %add3A_164 = arith.addi %add3A_163, %mul3A_108 : i32
          %get3A_165 = arith.index_cast %add3A_164 : i32 to index
          %get3A_166 = tpu.vector_load %arg17[%get3A_165] {strides = array<i32>} : memref<16384xf32, #tpu.memory_space<vmem>>, vector<16xf32>,
          %get3A_167 = vector.shape_cast %get3A_166 : vector<16xf32> to vector<16xf32>
          %bitcast_convert_type3A_168 = tpu.bitcast %get3A_167 : vector<16xf32> -> vector<16xi32>
          %shift_left3A_169 = arith.constant 16 : i32
          %shift_left3A_170 = vector.broadcast %shift_left3A_169 : i32 to vector<16xi32>
          %shift_left3A_171 = arith.shli %bitcast_convert_type3A_168, %shift_left3A_170 : vector<16xi32>
          %bitcast_convert_type3A_172 = tpu.bitcast %shift_left3A_171 : vector<16xi32> -> vector<16xf32>
          %and3A_173 = arith.constant -65536 : i32
          %and3A_174 = vector.broadcast %and3A_173 : i32 to vector<16xi32>
          %and3A_175 = arith.andi %bitcast_convert_type3A_168, %and3A_174 : vector<16xi32>
          %bitcast_convert_type3A_176 = tpu.bitcast %and3A_175 : vector<16xi32> -> vector<16xf32>
          %add3A_177 = arith.constant 8192 : i32
          %add3A_178 = arith.addi %add3A_177, %mul3A_108 : i32
          %get3A_179 = arith.index_cast %add3A_178 : i32 to index
          %get3A_180 = tpu.vector_load %arg17[%get3A_179] {strides = array<i32>} : memref<16384xf32, #tpu.memory_space<vmem>>, vector<16xf32>,
          %get3A_181 = vector.shape_cast %get3A_180 : vector<16xf32> to vector<16xf32>
          %bitcast_convert_type3A_182 = tpu.bitcast %get3A_181 : vector<16xf32> -> vector<16xi32>
          %shift_left3A_183 = arith.constant 16 : i32
          %shift_left3A_184 = vector.broadcast %shift_left3A_183 : i32 to vector<16xi32>
          %shift_left3A_185 = arith.shli %bitcast_convert_type3A_182, %shift_left3A_184 : vector<16xi32>
          %bitcast_convert_type3A_186 = tpu.bitcast %shift_left3A_185 : vector<16xi32> -> vector<16xf32>
          %and3A_187 = arith.constant -65536 : i32
          %and3A_188 = vector.broadcast %and3A_187 : i32 to vector<16xi32>
          %and3A_189 = arith.andi %bitcast_convert_type3A_182, %and3A_188 : vector<16xi32>
          %bitcast_convert_type3A_190 = tpu.bitcast %and3A_189 : vector<16xi32> -> vector<16xf32>
          %add3A_191 = arith.constant 10240 : i32
          %add3A_192 = arith.addi %add3A_191, %mul3A_108 : i32
          %get3A_193 = arith.index_cast %add3A_192 : i32 to index
          %get3A_194 = tpu.vector_load %arg17[%get3A_193] {strides = array<i32>} : memref<16384xf32, #tpu.memory_space<vmem>>, vector<16xf32>,
          %get3A_195 = vector.shape_cast %get3A_194 : vector<16xf32> to vector<16xf32>
          %bitcast_convert_type3A_196 = tpu.bitcast %get3A_195 : vector<16xf32> -> vector<16xi32>
          %shift_left3A_197 = arith.constant 16 : i32
          %shift_left3A_198 = vector.broadcast %shift_left3A_197 : i32 to vector<16xi32>
          %shift_left3A_199 = arith.shli %bitcast_convert_type3A_196, %shift_left3A_198 : vector<16xi32>
          %bitcast_convert_type3A_200 = tpu.bitcast %shift_left3A_199 : vector<16xi32> -> vector<16xf32>
          %and3A_201 = arith.constant -65536 : i32
          %and3A_202 = vector.broadcast %and3A_201 : i32 to vector<16xi32>
          %and3A_203 = arith.andi %bitcast_convert_type3A_196, %and3A_202 : vector<16xi32>
          %bitcast_convert_type3A_204 = tpu.bitcast %and3A_203 : vector<16xi32> -> vector<16xf32>
          %add3A_205 = arith.constant 12288 : i32
          %add3A_206 = arith.addi %add3A_205, %mul3A_108 : i32
          %get3A_207 = arith.index_cast %add3A_206 : i32 to index
          %get3A_208 = tpu.vector_load %arg17[%get3A_207] {strides = array<i32>} : memref<16384xf32, #tpu.memory_space<vmem>>, vector<16xf32>,
          %get3A_209 = vector.shape_cast %get3A_208 : vector<16xf32> to vector<16xf32>
          %bitcast_convert_type3A_210 = tpu.bitcast %get3A_209 : vector<16xf32> -> vector<16xi32>
          %shift_left3A_211 = arith.constant 16 : i32
          %shift_left3A_212 = vector.broadcast %shift_left3A_211 : i32 to vector<16xi32>
          %shift_left3A_213 = arith.shli %bitcast_convert_type3A_210, %shift_left3A_212 : vector<16xi32>
          %bitcast_convert_type3A_214 = tpu.bitcast %shift_left3A_213 : vector<16xi32> -> vector<16xf32>
          %and3A_215 = arith.constant -65536 : i32
          %and3A_216 = vector.broadcast %and3A_215 : i32 to vector<16xi32>
          %and3A_217 = arith.andi %bitcast_convert_type3A_210, %and3A_216 : vector<16xi32>
          %bitcast_convert_type3A_218 = tpu.bitcast %and3A_217 : vector<16xi32> -> vector<16xf32>
          %add3A_219 = arith.constant 14336 : i32
          %add3A_220 = arith.addi %add3A_219, %mul3A_108 : i32
          %get3A_221 = arith.index_cast %add3A_220 : i32 to index
          %get3A_222 = tpu.vector_load %arg17[%get3A_221] {strides = array<i32>} : memref<16384xf32, #tpu.memory_space<vmem>>, vector<16xf32>,
          %get3A_223 = vector.shape_cast %get3A_222 : vector<16xf32> to vector<16xf32>
          %bitcast_convert_type3A_224 = tpu.bitcast %get3A_223 : vector<16xf32> -> vector<16xi32>
          %shift_left3A_225 = arith.constant 16 : i32
          %shift_left3A_226 = vector.broadcast %shift_left3A_225 : i32 to vector<16xi32>
          %shift_left3A_227 = arith.shli %bitcast_convert_type3A_224, %shift_left3A_226 : vector<16xi32>
          %bitcast_convert_type3A_228 = tpu.bitcast %shift_left3A_227 : vector<16xi32> -> vector<16xf32>
          %and3A_229 = arith.constant -65536 : i32
          %and3A_230 = vector.broadcast %and3A_229 : i32 to vector<16xi32>
          %and3A_231 = arith.andi %bitcast_convert_type3A_224, %and3A_230 : vector<16xi32>
          %bitcast_convert_type3A_232 = tpu.bitcast %and3A_231 : vector<16xi32> -> vector<16xf32>
          %sub3A = arith.subf %bitcast_convert_type3A_144, %bitcast_convert_type3A_131 : vector<16xf32>
          %mul3A_233 = arith.mulf %get3A_123, %sub3A : vector<16xf32>
          %add3A_234 = arith.addf %bitcast_convert_type3A_131, %mul3A_233 : vector<16xf32>
          %sub3A_235 = arith.subf %bitcast_convert_type3A_172, %bitcast_convert_type3A_158 : vector<16xf32>
          %mul3A_236 = arith.mulf %get3A_123, %sub3A_235 : vector<16xf32>
          %add3A_237 = arith.addf %bitcast_convert_type3A_158, %mul3A_236 : vector<16xf32>
          %sub3A_238 = arith.subf %bitcast_convert_type3A_200, %bitcast_convert_type3A_186 : vector<16xf32>
          %mul3A_239 = arith.mulf %get3A_123, %sub3A_238 : vector<16xf32>
          %add3A_240 = arith.addf %bitcast_convert_type3A_186, %mul3A_239 : vector<16xf32>
          %sub3A_241 = arith.subf %bitcast_convert_type3A_228, %bitcast_convert_type3A_214 : vector<16xf32>
          %mul3A_242 = arith.mulf %get3A_123, %sub3A_241 : vector<16xf32>
          %add3A_243 = arith.addf %bitcast_convert_type3A_214, %mul3A_242 : vector<16xf32>
          %sub3A_244 = arith.subf %add3A_237, %add3A_234 : vector<16xf32>
          %mul3A_245 = arith.mulf %get3A_118, %sub3A_244 : vector<16xf32>
          %add3A_246 = arith.addf %add3A_234, %mul3A_245 : vector<16xf32>
          %sub3A_247 = arith.subf %add3A_243, %add3A_240 : vector<16xf32>
          %mul3A_248 = arith.mulf %get3A_118, %sub3A_247 : vector<16xf32>
          %add3A_249 = arith.addf %add3A_240, %mul3A_248 : vector<16xf32>
          %sub3A_250 = arith.subf %add3A_249, %add3A_246 : vector<16xf32>
          %mul3A_251 = arith.mulf %get3A_113, %sub3A_250 : vector<16xf32>
          %add3A_252 = arith.addf %add3A_246, %mul3A_251 : vector<16xf32>
          %sub3A_253 = arith.subf %bitcast_convert_type3A_148, %bitcast_convert_type3A_134 : vector<16xf32>
          %mul3A_254 = arith.mulf %get3A_123, %sub3A_253 : vector<16xf32>
          %add3A_255 = arith.addf %bitcast_convert_type3A_134, %mul3A_254 : vector<16xf32>
          %sub3A_256 = arith.subf %bitcast_convert_type3A_176, %bitcast_convert_type3A_162 : vector<16xf32>
          %mul3A_257 = arith.mulf %get3A_123, %sub3A_256 : vector<16xf32>
          %add3A_258 = arith.addf %bitcast_convert_type3A_162, %mul3A_257 : vector<16xf32>
          %sub3A_259 = arith.subf %bitcast_convert_type3A_204, %bitcast_convert_type3A_190 : vector<16xf32>
          %mul3A_260 = arith.mulf %get3A_123, %sub3A_259 : vector<16xf32>
          %add3A_261 = arith.addf %bitcast_convert_type3A_190, %mul3A_260 : vector<16xf32>
          %sub3A_262 = arith.subf %bitcast_convert_type3A_232, %bitcast_convert_type3A_218 : vector<16xf32>
          %mul3A_263 = arith.mulf %get3A_123, %sub3A_262 : vector<16xf32>
          %add3A_264 = arith.addf %bitcast_convert_type3A_218, %mul3A_263 : vector<16xf32>
          %sub3A_265 = arith.subf %add3A_258, %add3A_255 : vector<16xf32>
          %mul3A_266 = arith.mulf %get3A_118, %sub3A_265 : vector<16xf32>
          %add3A_267 = arith.addf %add3A_255, %mul3A_266 : vector<16xf32>
          %sub3A_268 = arith.subf %add3A_264, %add3A_261 : vector<16xf32>
          %mul3A_269 = arith.mulf %get3A_118, %sub3A_268 : vector<16xf32>
          %add3A_270 = arith.addf %add3A_261, %mul3A_269 : vector<16xf32>
          %sub3A_271 = arith.subf %add3A_270, %add3A_267 : vector<16xf32>
          %mul3A_272 = arith.mulf %get3A_113, %sub3A_271 : vector<16xf32>
          %add3A_273 = arith.addf %add3A_267, %mul3A_272 : vector<16xf32>
          %swap3A = arith.constant 0 : i32
          %swap3A_274 = arith.index_cast %swap3A : i32 to index
          %swap3A_275 = arith.index_cast %mul3A_108 : i32 to index
          %swap3A_276 = tpu.vector_load %arg18[%swap3A_274, %swap3A_275] {strides = array<i32>} : memref<2x2048xf32, #tpu.memory_space<vmem>>, vector<1x16xf32>,
          %swap3A_277 = vector.shape_cast %swap3A_276 : vector<1x16xf32> to vector<16xf32>
          %swap3A_278 = vector.shape_cast %add3A_252 : vector<16xf32> to vector<1x16xf32>
          tpu.vector_store %arg18[%swap3A_274, %swap3A_275], %swap3A_278 {strides = array<i32>} : memref<2x2048xf32, #tpu.memory_space<vmem>>, vector<1x16xf32>,
          %swap3A_279 = arith.constant 1 : i32
          %swap3A_280 = arith.index_cast %swap3A_279 : i32 to index
          %swap3A_281 = arith.index_cast %mul3A_108 : i32 to index
          %swap3A_282 = tpu.vector_load %arg18[%swap3A_280, %swap3A_281] {strides = array<i32>} : memref<2x2048xf32, #tpu.memory_space<vmem>>, vector<1x16xf32>,
          %swap3A_283 = vector.shape_cast %swap3A_282 : vector<1x16xf32> to vector<16xf32>
          %swap3A_284 = vector.shape_cast %add3A_273 : vector<16xf32> to vector<1x16xf32>
          tpu.vector_store %arg18[%swap3A_280, %swap3A_281], %swap3A_284 {strides = array<i32>} : memref<2x2048xf32, #tpu.memory_space<vmem>>, vector<1x16xf32>,
        }
        %scan3A_98 = arith.constant 128 : i32
        %mul3A_99 = arith.constant 32768 : i32
        %mul3A_100 = arith.muli %add3A, %mul3A_99 : i32
        %mul3A_101 = arith.constant 2048 : i32
        %mul3A_102 = arith.muli %add3A_44, %mul3A_101 : i32
        %add3A_103 = arith.addi %mul3A_100, %mul3A_102 : i32
        %mul3A_104 = arith.constant 2 : i32
        %mul3A_105 = arith.muli %mul3A_104, %scan3A_6 : i32
        "tpu.region"() ({
          %run_scoped3A = tpu.sem_alloc : memref<!tpu.dma_semaphore, #tpu.memory_space<semaphore_mem>>
          %dma_start3A_106 = tpu.memref_slice %arg7[%mul3A_105, %add3A_103] : memref<32x1048576xf32, #tpu.memory_space<hbm>> -> memref<2x2048xf32, #tpu.memory_space<hbm>>
          %dma_start3A_107 = tpu.memref_slice %arg7[%mul3A_105, %add3A_103] : memref<32x1048576xf32, #tpu.memory_space<hbm>> -> memref<2x2048xf32, #tpu.memory_space<hbm>>
          tpu.enqueue_dma source(%arg18 : memref<2x2048xf32, #tpu.memory_space<vmem>>) target(%dma_start3A_107 : memref<2x2048xf32, #tpu.memory_space<hbm>>) target_semaphore(%run_scoped3A : memref<!tpu.dma_semaphore, #tpu.memory_space<semaphore_mem>>)
          %dma_wait3A_108 = tpu.memref_slice %arg7[%mul3A_105, %add3A_103] : memref<32x1048576xf32, #tpu.memory_space<hbm>> -> memref<2x2048xf32, #tpu.memory_space<hbm>>
          %dma_wait3A_109 = tpu.memref_slice %arg7[%mul3A_105, %add3A_103] : memref<32x1048576xf32, #tpu.memory_space<hbm>> -> memref<2x2048xf32, #tpu.memory_space<hbm>>
          tpu.wait_dma2 semaphore(%run_scoped3A : memref<!tpu.dma_semaphore, #tpu.memory_space<semaphore_mem>>) src(%arg18 : memref<2x2048xf32, #tpu.memory_space<vmem>>) dst(%dma_wait3A_109 : memref<2x2048xf32, #tpu.memory_space<hbm>>)
          tpu.yield
        }) : () -> ()
      }
      %scan3A_38 = arith.constant 8 : i32
      %barrier3A_39 = arith.constant 0 : index
      tpu.barrier barrier_id(%barrier3A_39)
    }
    %scan3A_5 = arith.constant 16 : i32
    return
  }
}

module attributes {stable_mosaic.version = 14 : i64} {
  func.func @_split_body(%arg0: i32, %arg1: memref<8192x3xf32, #tpu.memory_space<vmem>>, %arg2: memref<8192xf32, #tpu.memory_space<vmem>>, %arg3: memref<8192xf32, #tpu.memory_space<vmem>>, %arg4: memref<8192xf32, #tpu.memory_space<vmem>>) attributes {dimension_semantics = [#tpu.dimension_semantics<arbitrary>], iteration_bounds = array<i64: 128>, scalar_prefetch = 0 : i64, scratch_operands = 0 : i64, tpu.core_type = #tpu.core_type<tc>, window_params = [{transform_indices = @transform_0, window_bounds = array<i64: 8192, 3>}, {transform_indices = @transform_1, window_bounds = array<i64: 8192>}, {transform_indices = @transform_2, window_bounds = array<i64: 8192>}, {transform_indices = @transform_3, window_bounds = array<i64: 8192>}]} {
    %get3A = arith.constant 0 : index
    %get3A_0 = arith.constant 0 : index
    %get3A_1 = vector.load %arg1[%get3A, %get3A_0] : memref<8192x3xf32, #tpu.memory_space<vmem>>, vector<8192x3xf32>
    %add3A = arith.constant 1.000000e+00 : f32
    %add3A_2 = vector.broadcast %add3A : f32 to vector<8192x3xf32>
    %add3A_3 = arith.addf %get3A_1, %add3A_2 : vector<8192x3xf32>
    %mul3A = arith.constant 5.000000e-01 : f32
    %mul3A_4 = vector.broadcast %mul3A : f32 to vector<8192x3xf32>
    %mul3A_5 = arith.mulf %add3A_3, %mul3A_4 : vector<8192x3xf32>
    %jit3A = arith.constant 0.000000e+00 : f32
    %jit3A_6 = arith.constant 1.000000e+00 : f32
    %max3A = vector.broadcast %jit3A : f32 to vector<8192x3xf32>
    %max3A_7 = arith.maximumf %max3A, %mul3A_5 : vector<8192x3xf32>
    %min3A = vector.broadcast %jit3A_6 : f32 to vector<8192x3xf32>
    %min3A_8 = arith.minimumf %min3A, %max3A_7 : vector<8192x3xf32>
    %transpose3A = tpu.transpose %min3A_8, [1, 0] : vector<8192x3xf32> -> vector<3x8192xf32>
    %slice3A = vector.extract_strided_slice %transpose3A {offsets = [0, 0], sizes = [1, 8192], strides = [1, 1]} : vector<3x8192xf32> to vector<1x8192xf32>
    %squeeze3A = vector.shape_cast %slice3A : vector<1x8192xf32> to vector<8192xf32>
    %swap3A = arith.constant 0 : index
    %swap3A_9 = vector.load %arg2[%swap3A] : memref<8192xf32, #tpu.memory_space<vmem>>, vector<8192xf32>
    tpu.vector_store %arg2[%swap3A], %squeeze3A {strides = array<i32>} : memref<8192xf32, #tpu.memory_space<vmem>>, vector<8192xf32>,
    %slice3A_10 = vector.extract_strided_slice %transpose3A {offsets = [1, 0], sizes = [1, 8192], strides = [1, 1]} : vector<3x8192xf32> to vector<1x8192xf32>
    %squeeze3A_11 = vector.shape_cast %slice3A_10 : vector<1x8192xf32> to vector<8192xf32>
    %swap3A_12 = arith.constant 0 : index
    %swap3A_13 = vector.load %arg3[%swap3A_12] : memref<8192xf32, #tpu.memory_space<vmem>>, vector<8192xf32>
    tpu.vector_store %arg3[%swap3A_12], %squeeze3A_11 {strides = array<i32>} : memref<8192xf32, #tpu.memory_space<vmem>>, vector<8192xf32>,
    %slice3A_14 = vector.extract_strided_slice %transpose3A {offsets = [2, 0], sizes = [1, 8192], strides = [1, 1]} : vector<3x8192xf32> to vector<1x8192xf32>
    %squeeze3A_15 = vector.shape_cast %slice3A_14 : vector<1x8192xf32> to vector<8192xf32>
    %swap3A_16 = arith.constant 0 : index
    %swap3A_17 = vector.load %arg4[%swap3A_16] : memref<8192xf32, #tpu.memory_space<vmem>>, vector<8192xf32>
    tpu.vector_store %arg4[%swap3A_16], %squeeze3A_15 {strides = array<i32>} : memref<8192xf32, #tpu.memory_space<vmem>>, vector<8192xf32>,
    return
  }
  func.func @transform_0(%arg0: i32) -> (i32, i32) {
    %c0_i32 = arith.constant 0 : i32
    %c0_i32_0 = arith.constant 0 : i32
    return %arg0, %c0_i32 : i32, i32
  }
  func.func @transform_1(%arg0: i32) -> i32 {
    %c0_i32 = arith.constant 0 : i32
    return %arg0 : i32
  }
  func.func @transform_2(%arg0: i32) -> i32 {
    %c0_i32 = arith.constant 0 : i32
    return %arg0 : i32
  }
  func.func @transform_3(%arg0: i32) -> i32 {
    %c0_i32 = arith.constant 0 : i32
    return %arg0 : i32
  }
}

module attributes {stable_mosaic.version = 14 : i64} {
  func.func @_mlp_body(%arg0: i32, %arg1: memref<32x8192xf32, #tpu.memory_space<vmem>>, %arg2: memref<32x32xf32, #tpu.memory_space<vmem>>, %arg3: memref<32x32xf32, #tpu.memory_space<vmem>>, %arg4: memref<3x32xf32, #tpu.memory_space<vmem>>, %arg5: memref<8192x3xf32, #tpu.memory_space<vmem>>) attributes {dimension_semantics = [#tpu.dimension_semantics<arbitrary>], iteration_bounds = array<i64: 128>, scalar_prefetch = 0 : i64, scratch_operands = 0 : i64, tpu.core_type = #tpu.core_type<tc>, window_params = [{transform_indices = @transform_0, window_bounds = array<i64: 32, 8192>}, {pipeline_mode = #tpu.pipeline_mode<synchronous>, transform_indices = @transform_1, window_bounds = array<i64: 32, 32>}, {pipeline_mode = #tpu.pipeline_mode<synchronous>, transform_indices = @transform_2, window_bounds = array<i64: 32, 32>}, {pipeline_mode = #tpu.pipeline_mode<synchronous>, transform_indices = @transform_3, window_bounds = array<i64: 3, 32>}, {transform_indices = @transform_4, window_bounds = array<i64: 8192, 3>}]} {
    %get3A = arith.constant 0 : index
    %get3A_0 = arith.constant 0 : index
    %get3A_1 = vector.load %arg1[%get3A, %get3A_0] : memref<32x8192xf32, #tpu.memory_space<vmem>>, vector<32x8192xf32>
    %get3A_2 = arith.constant 0 : index
    %get3A_3 = arith.constant 0 : index
    %get3A_4 = vector.load %arg2[%get3A_2, %get3A_3] : memref<32x32xf32, #tpu.memory_space<vmem>>, vector<32x32xf32>
    %dot_general3A = arith.constant dense<0.000000e+00> : vector<32x8192xf32>
    %dot_general3A_5 = tpu.matmul %get3A_4, %get3A_1, %dot_general3A {dimension_numbers = #tpu.dot_dimension_numbers<[1], [0], [0], [1], [0, 0, 1, 1], [], []>, transpose_lhs_hint = false} : vector<32x32xf32>, vector<32x8192xf32>, vector<32x8192xf32> -> vector<32x8192xf32>
    %max3A = arith.constant 0.000000e+00 : f32
    %max3A_6 = vector.broadcast %max3A : f32 to vector<32x8192xf32>
    %max3A_7 = arith.maximumf %dot_general3A_5, %max3A_6 : vector<32x8192xf32>
    %get3A_8 = arith.constant 0 : index
    %get3A_9 = arith.constant 0 : index
    %get3A_10 = vector.load %arg3[%get3A_8, %get3A_9] : memref<32x32xf32, #tpu.memory_space<vmem>>, vector<32x32xf32>
    %dot_general3A_11 = arith.constant dense<0.000000e+00> : vector<32x8192xf32>
    %dot_general3A_12 = tpu.matmul %get3A_10, %max3A_7, %dot_general3A_11 {dimension_numbers = #tpu.dot_dimension_numbers<[1], [0], [0], [1], [0, 0, 1, 1], [], []>, transpose_lhs_hint = false} : vector<32x32xf32>, vector<32x8192xf32>, vector<32x8192xf32> -> vector<32x8192xf32>
    %max3A_13 = arith.constant 0.000000e+00 : f32
    %max3A_14 = vector.broadcast %max3A_13 : f32 to vector<32x8192xf32>
    %max3A_15 = arith.maximumf %dot_general3A_12, %max3A_14 : vector<32x8192xf32>
    %get3A_16 = arith.constant 0 : index
    %get3A_17 = arith.constant 0 : index
    %get3A_18 = vector.load %arg4[%get3A_16, %get3A_17] : memref<3x32xf32, #tpu.memory_space<vmem>>, vector<3x32xf32>
    %dot_general3A_19 = arith.constant dense<0.000000e+00> : vector<3x8192xf32>
    %dot_general3A_20 = tpu.matmul %get3A_18, %max3A_15, %dot_general3A_19 {dimension_numbers = #tpu.dot_dimension_numbers<[1], [0], [0], [1], [0, 0, 1, 1], [], []>, transpose_lhs_hint = false} : vector<3x32xf32>, vector<32x8192xf32>, vector<3x8192xf32> -> vector<3x8192xf32>
    %logistic3A = arith.negf %dot_general3A_20 : vector<3x8192xf32>
    %logistic3A_21 = math.exp %logistic3A : vector<3x8192xf32>
    %logistic3A_22 = arith.constant 1.000000e+00 : f32
    %logistic3A_23 = vector.broadcast %logistic3A_22 : f32 to vector<3x8192xf32>
    %logistic3A_24 = arith.addf %logistic3A_23, %logistic3A_21 : vector<3x8192xf32>
    %logistic3A_25 = arith.divf %logistic3A_23, %logistic3A_24 : vector<3x8192xf32>
    %transpose3A = tpu.transpose %logistic3A_25, [1, 0] : vector<3x8192xf32> -> vector<8192x3xf32>
    %swap3A = arith.constant 0 : index
    %swap3A_26 = arith.constant 0 : index
    %swap3A_27 = vector.load %arg5[%swap3A, %swap3A_26] : memref<8192x3xf32, #tpu.memory_space<vmem>>, vector<8192x3xf32>
    tpu.vector_store %arg5[%swap3A, %swap3A_26], %transpose3A {strides = array<i32>} : memref<8192x3xf32, #tpu.memory_space<vmem>>, vector<8192x3xf32>,
    return
  }
  func.func @transform_0(%arg0: i32) -> (i32, i32) {
    %c0_i32 = arith.constant 0 : i32
    %c0_i32_0 = arith.constant 0 : i32
    return %c0_i32, %arg0 : i32, i32
  }
  func.func @transform_1(%arg0: i32) -> (i32, i32) {
    %c0_i32 = arith.constant 0 : i32
    %c0_i32_0 = arith.constant 0 : i32
    %c0_i32_1 = arith.constant 0 : i32
    return %c0_i32, %c0_i32_0 : i32, i32
  }
  func.func @transform_2(%arg0: i32) -> (i32, i32) {
    %c0_i32 = arith.constant 0 : i32
    %c0_i32_0 = arith.constant 0 : i32
    %c0_i32_1 = arith.constant 0 : i32
    return %c0_i32, %c0_i32_0 : i32, i32
  }
  func.func @transform_3(%arg0: i32) -> (i32, i32) {
    %c0_i32 = arith.constant 0 : i32
    %c0_i32_0 = arith.constant 0 : i32
    %c0_i32_1 = arith.constant 0 : i32
    return %c0_i32, %c0_i32_0 : i32, i32
  }
  func.func @transform_4(%arg0: i32) -> (i32, i32) {
    %c0_i32 = arith.constant 0 : i32
    %c0_i32_0 = arith.constant 0 : i32
    return %arg0, %c0_i32 : i32, i32
  }
}

</mosaic_0001>

<sc_bundles>
// kernel: kernel.5.cloned.1.call-start
scs
__scs_entry_jumppad:
0x0: {  	(pc) =	sbr.rel $0x88, $3  }
0x1: {  	(tag) =	ssettag $0x0;
	lr =	simm.s32 $0x1  }
0x2: {  	[smem:$0x3F9C] =	sst lr;
	_ =	strace $0xD0000000  }
0x3: {  	_ = 	snop  }
0x4: {  	_ = 	snop  }
0x5: {  	_ = 	snop  }
0x6: {  	_ = 	snop  }
0x7: {  	_ = 	snop  }
__scs_overlays_trampoline_lowered:
0x8: {  	[smem:$0x3FAB] =	sst s0  }
0x9: {  	[smem:$0x3FAC] =	sst s1  }
0xa: {  	[smem:$0x3FAD] =	sst s2  }
0xb: {  	[smem:$0x3FAE] =	sst s3  }
0xc: {  	[smem:$0x3FAF] =	sst s4  }
0xd: {  	[smem:$0x3FB0] =	sst s5  }
0xe: {  	[smem:$0x3FB1] =	sst s6  }
0xf: {  	[smem:$0x3FB2] =	sst s7  }
0x10: {  	[smem:$0x3FB3] =	sst s8  }
0x11: {  	[smem:$0x3FB4] =	sst s9;
	s0 =	simm.s32 @!p0 $0x0  }
0x12: {  	s1 =	sld [smem:$0x3F9A];
	s0 =	simm.s32 @p0 $0x1  }
0x13: {  	[smem:$0x3FB5] =	sst s0;
	s0 =	simm.s32 @!p1 $0x0  }
0x14: {  	s2 =	sld [smem:$0x3F99];
	s0 =	simm.s32 @p1 $0x1  }
0x15: {  	[smem:$0x3FB6] =	sst s0;
	s0 =	simm.s32 @!p2 $0x0  }
0x16: {  	s3 =	sld [smem:$0x3FDB];
	s0 =	simm.s32 @p2 $0x1  }
0x17: {  	s4 =	simm.s32 $0x1BF5;
	[smem:$0x3FB8] =	sst s0  }
0x18: {  	s0 =	sld [smem:$0x3F9B];
	_ =	swait.ge [sflag:s4], $0x0  }
0x19: {  	s7 =	sld [smem:$0x3F9C]  }
0x1a: {  	s8 =	sadd.s32 $0xFFFFE003, lr  }
0x1b: {  	s9 =	sadd.s32 $0xFFFFFEF7, lr;
	s5 =	simm.s32 $0xFFFFFFFF;
	p2 =	slt.u32 s8, $0xFFFFF086  }
0x1c: {  	p1 =	slt.u32 s9, $0xF7A;
	s5 =	simm.s32 @!p2 $0x0  }
0x1d: {  	s5 =	simm.s32 @p1 $0x1;
	p0 =	seq.s32 s7, s2  }
0x1e: {  	s7 =	smul.u32 @!p0 $0xF7A, s2;
	p2 =	seq.s32 @!p0 s5, $0x0  }
0x1f: {  	s9 =	smul.u32 $0xF7A, s1;
	s8 =	simm.s32 @!p0 $0x1BF5;
	p2 =	por !p2, p0  }
0x20: {  	[sflag:s8] =	ssyncset.s32 @!p0 $0xFFFFF086;
	s6 =	sadd.s32 @!p0 s3, s7;
	s7 =	simm.s32 @!p0 $0x108  }
0x21: {  	s3 =	sadd.s32 s3, s9;
	s6 =	sadd.s32 @!p0 $0x88, s6;
	s7 =	simm.s32 @p2 $0x1082  }
0x22: {  	[simem:s7], [sflag:s8] =	dma.local @!p0 [hbm:s6], $0xF7A  }
0x23: {  	s9 =	sor.u32 $0xD0000000, s2;
	s6 =	simm.s32 $0x108;
	_ =	swait.ge @!p0 [sflag:s8], $0x0  }
0x24: {  	s3 =	sadd.s32 $0x88, s3;
	s6 =	simm.s32 @!p1 $0x1082;
	[sflag:s4] =	ssyncset.s32 $0xFFFFF086  }
0x25: {  	[simem:s6], [sflag:s4] =	dma.local [hbm:s3], $0xF7A  }
0x26: {  	[smem:$0x3F9C] =	sst s1;
	(tag) =	ssettag s2;
	_ =	strace s9  }
0x27: {  	s1 =	sld [smem:$0x3FAC]  }
0x28: {  	s2 =	sld [smem:$0x3FAD]  }
0x29: {  	s4 =	sld [smem:$0x3FAF]  }
0x2a: {  	p0 =	seq.s32 s5, $0x0;
	s5 =	sld [smem:$0x3FB0]  }
0x2b: {  	s6 =	sld [smem:$0x3FB1]  }
0x2c: {  	s7 =	sld [smem:$0x3FB2]  }
0x2d: {  	s3 =	simm.s32 $0x108;
	s8 =	sld [smem:$0x3FB3]  }
0x2e: {  	s3 =	simm.s32 @!p0 $0x1082;
	s9 =	sld [smem:$0x3FB4]  }
0x2f: {  	lr =	sadd.s32 s0, s3;
	s0 =	sld [smem:$0x3FAB]  }
0x30: {  	s3 =	sld [smem:$0x3FAE]  }
0x31: {  	[smem:$0x3FB7] =	sst s10  }
0x32: {  	s10 =	sld [smem:$0x3FB5];
	_ =	sdelay $0x3  }
0x33: {  	p0 =	seq.s32 s10, $0x1;
	s10 =	sld [smem:$0x3FB7];
	_ =	sdelay $0x3  }
0x34: {  	[smem:$0x3FB7] =	sst s10  }
0x35: {  	s10 =	sld [smem:$0x3FB6];
	_ =	sdelay $0x3  }
0x36: {  	p1 =	seq.s32 s10, $0x1;
	s10 =	sld [smem:$0x3FB7];
	_ =	sdelay $0x3  }
0x37: {  	[smem:$0x3FB7] =	sst s10  }
0x38: {  	s10 =	sld [smem:$0x3FB8]  }
0x39: {  	_ = 	snop;
	(pc) =	sbr.ind lr, $3  }
0x3a: {  	_ = 	snop  }
0x3b: {  	_ = 	snop  }
0x3c: {  	p2 =	seq.s32 s10, $0x1;
	s10 =	sld [smem:$0x3FB7]  }
0x3d: {  	_ =	shalt  }
0x3e: {  	_ =	shalt  }
0x3f: {  	_ =	shalt  }
0x40: {  	_ =	shalt  }
0x41: {  	_ =	shalt  }
0x42: {  	_ =	shalt  }
0x43: {  	_ =	shalt  }
0x44: {  	_ =	shalt  }
0x45: {  	_ =	shalt  }
0x46: {  	_ =	shalt  }
0x47: {  	_ =	shalt  }
0x48: {  	_ =	shalt  }
0x49: {  	_ =	shalt  }
0x4a: {  	_ =	shalt  }
0x4b: {  	_ =	shalt  }
0x4c: {  	_ =	shalt  }
0x4d: {  	_ =	shalt  }
0x4e: {  	_ =	shalt  }
0x4f: {  	_ =	shalt  }
0x50: {  	_ =	shalt  }
0x51: {  	_ =	shalt  }
0x52: {  	_ =	shalt  }
0x53: {  	_ =	shalt  }
0x54: {  	_ =	shalt  }
0x55: {  	_ =	shalt  }
0x56: {  	_ =	shalt  }
0x57: {  	_ =	shalt  }
0x58: {  	_ =	shalt  }
0x59: {  	_ =	shalt  }
0x5a: {  	_ =	shalt  }
0x5b: {  	_ =	shalt  }
0x5c: {  	_ =	shalt  }
0x5d: {  	_ =	shalt  }
0x5e: {  	_ =	shalt  }
0x5f: {  	_ =	shalt  }
0x60: {  	_ =	shalt  }
0x61: {  	_ =	shalt  }
0x62: {  	_ =	shalt  }
0x63: {  	_ =	shalt  }
0x64: {  	_ =	shalt  }
0x65: {  	_ =	shalt  }
0x66: {  	_ =	shalt  }
0x67: {  	_ =	shalt  }
0x68: {  	_ =	shalt  }
0x69: {  	_ =	shalt  }
0x6a: {  	_ =	shalt  }
0x6b: {  	_ =	shalt  }
0x6c: {  	_ =	shalt  }
0x6d: {  	_ =	shalt  }
0x6e: {  	_ =	shalt  }
0x6f: {  	_ =	shalt  }
0x70: {  	_ =	shalt  }
0x71: {  	_ =	shalt  }
0x72: {  	_ =	shalt  }
0x73: {  	_ =	shalt  }
0x74: {  	_ =	shalt  }
0x75: {  	_ =	shalt  }
0x76: {  	_ =	shalt  }
0x77: {  	_ =	shalt  }
0x78: {  	_ =	shalt  }
0x79: {  	_ =	shalt  }
0x7a: {  	_ =	shalt  }
0x7b: {  	_ =	shalt  }
0x7c: {  	_ =	shalt  }
0x7d: {  	_ =	shalt  }
0x7e: {  	_ =	shalt  }
0x7f: {  	_ =	shalt  }
0x80: {  	_ =	shalt  }
0x81: {  	_ =	shalt  }
0x82: {  	_ =	shalt  }
0x83: {  	_ =	shalt  }
0x84: {  	_ =	shalt  }
0x85: {  	_ =	shalt  }
0x86: {  	_ =	shalt  }
0x87: {  	_ =	shalt  }
.Lfunc_end0:
.L_simem_size_0:
called_computation.1_lowered:
.L_overlay_start_0:
0x88: {  	s2 =	sld [smem:$0x3FD9]  }
0x89: {  	s3 =	sld [smem:$0x3FFE];
	_ =	sdelay $0x1  }
0x8a: {  	s1 =	srdreg.scid  }
0x8b: {  	s0 =	sand.u32 $0x1, s1  }
0x8c: {  	s17 =	sshll.u32 s0, $0xA;
	s2 =	sadd.s32 s3, s2  }
0x8d: {  	s2 =	sadd.s32 s2, s17  }
0x8e: {  	[smem:$0x3FC3] =	sst s2  }
0x8f: {  	_ = 	snop  }
0x90: {  	s2 =	sld [smem:$0x3FD0];
	(tm) =	ssettm $0x1  }
0x91: {  	s18 =	sld [smem:$0x3FFB];
	_ =	sdelay $0x3  }
0x92: {  	_ =	strace s18  }
0x93: {  	s3 =	sld [smem:$0x3FFC];
	_ =	sdelay $0x3  }
0x94: {  	_ =	strace s3  }
0x95: {  	s3 =	sld [smem:$0x3FFD];
	_ =	sdelay $0x3  }
0x96: {  	_ =	strace s3  }
0x97: {  	_ =	strace $0x8FFFFFFF  }
0x98: {  	s19 =	sld [smem:$0x3FDB];
	_ =	sdelay $0x1  }
0x99: {  	s4 =	simm.s32 $_scs_section_size  }
0x9a: {  	s5 =	simm.s32 $_size__tile_overlayer_lowered;
	s6 =	simm.s32 $_tile_overlayer_lowered  }
0x9b: {  	s22 =	simm.s32 $0x1BFF;
	s21 =	sshll.u32 s6, $0x1;
	s3 =	sadd.s32 s4, s19  }
0x9c: {  	s7 =	simm.s32 $0x0;
	s20 =	sshll.u32 s5, $0x1;
	s5 =	sadd.s32 s21, s3  }
0x9d: {  	[timem:s7], [sflag:s22] =	dma.local [hbm:s5], s20  }
0x9e: {  	_ =	swait.ge [sflag:s22], s20  }
0x9f: {  	s4 =	ssub.s32 $0x0, s20;
	[sflag:s22] =	ssyncset.done $0x0  }
0xa0: {  	[sflag:s22] =	ssyncadd.s32 s4;
	_ =	sdelay $0x1  }
0xa1: {  	s23 =	simm.s32 $0x1B8B  }
0xa2: {  	_ =	swait.ge [sflag:s23], $0x1  }
0xa3: {  	[sflag:s23] =	ssyncset.done $0x0  }
0xa4: {  	s25 =	simm.s32 $0x1B8E;
	s24 =	sld [smem:$0x3FFE];
	[sflag:s23] =	ssyncadd.s32 $0xFFFFFFFF  }
0xa5: {  	s26 =	simm.s32 $execute0_lowered;
	[smem:$0x3FD2] =	sst s25  }
0xa6: {  	s5 =	sshll.u32 s26, $0x1;
	_ =	strace $0x80000049;
	[dreg:$0x1] =	wrdreg $0xFFFFFFFF  }
0xa7: {  	s28 =	simm.s32 $_size_execute0_lowered;
	s3 =	sadd.s32 s3, s5;
	[dreg:$0x0] =	wrdreg $0x0  }
0xa8: {  	s5 =	sshll.u32 s28, $0x1;
	[dreg:$0x2] =	wrdreg s3  }
0xa9: {  	[dreg:$0x3] =	wrdreg s5  }
0xaa: {  	[dreg:$0x4] =	wrdreg $0xC0  }
0xab: {  	_ =	task [dreg:s7], $0x5FFFF  }
0xac: {  	[dreg:$0x1] =	wrdreg $0xFFFFFFFF  }
0xad: {  	[dreg:$0x0] =	wrdreg $0x60  }
0xae: {  	[dreg:$0x2] =	wrdreg s2  }
0xaf: {  	[dreg:$0x3] =	wrdreg s24  }
0xb0: {  	[dreg:$0x4] =	wrdreg $0x170000  }
0xb1: {  	[dreg:$0x5] =	wrdreg $0x9  }
0xb2: {  	_ =	task.clear_ibuf [dreg:s7], $0x6FFFF;
	_ =	strace $0x90000049  }
0xb3: {  	s29 =	simm.s32 $0x9;
	_ =	strace $0x8000004B  }
0xb4: {  	_ =	swait.ge [sflag:s29], $0x1  }
0xb5: {  	[sflag:s29] =	ssyncadd.s32 $0xFFFFFFFF  }
0xb6: {  	_ =	strace $0x9000004B  }
0xb7: {  	_ =	sfence  }
0xb8: {  	s30 =	sld [smem:$0x0];
	_ =	sdelay $0x2  }
0xb9: {  	s31 =	sshll.u32 s1, $0xD;
	s1 =	sshrl.u32 s1, $0x2  }
0xba: {  	s3 =	sand.u32 $0x4000, s31;
	s1 =	sadd.s32 s1, s30  }
0xbb: {  	s0 =	sor.u32 s3, s0;
	s1 =	sshll.u32 s1, $0x11  }
0xbc: {  	s0 =	sor.u32 s1, s0  }
0xbd: {  	s0 =	sadd.s32 $0x8F2B, s0  }
0xbe: {  	[sflag:s0] =	ssyncadd.remote.s32 $0x1  }
0xbf: {  	_ =	sfence.sel $0xFFFF  }
0xc0: {  	[dreg:$0x0] =	wrdreg $0xFFFFFFFF;
	(pc) =	sbr.abs _section_cstart, $3  }
0xc1: {  	[dreg:$0x1] =	wrdreg $0xFFFFFFFF  }
0xc2: {  	_ =	task.clear_ibuf [dreg:s7], $0x2FFFF;
	_ =	strace $0x9FFFFFFF  }
0xc3: {  	(tm) =	ssettm $0x7FFFFFFF  }
tec
execute0_lowered:
.L_overlay_start_1:
0x0: {  	(tag) =	ssettag $0x1  }
0x1: {  	s1 =	rddreg [dreg:$0x0]  }
0x2: {  	s0 =	rddreg [dreg:$0x1]  }
0x3: {  	s2 =	rddreg [dreg:$0x2]  }
0x4: {  	s3 =	simm.s32 $0x0;
	s15 =	srdreg.scid;
	s8 =	stileid.u32  }
0x5: {  	s30 =	simm.s32 $0x1;
	[smem:$0x7FF] =	sst s3;
	s5 =	sadd.s32 $0x202400, s0  }
0x6: {  	s31 =	simm.s32 $0x100;
	s6 =	sadd.s32 $0x222400, s0;
	s4 =	sadd.s32 $0x102400, s0  }
0x7: {  	s3 =	sand.u32 $0x1, s15;
	s16 =	sadd.s32 $0x2400, s0;
	s17 =	sshll.u32 s8, $0x10  }
0x8: {  	s9 =	sadd.s32 $0x242400, s0;
	s10 =	sshll.u32 s8, $0xF;
	s22 =	smov.u32 s2  }
0x9: {  	s28 =	sshll.u32 s8, $0x6;
	_ =	strace $0x8000004A;
	[dreg:$0x4] =	wrdreg s4  }
0xa: {  	[dreg:$0x5] =	wrdreg s16;
	s7 =	sshll.u32 s3, $0xF;
	s18 =	ssub.s32 $0x2, s3  }
0xb: {  	[dreg:$0x6] =	wrdreg s10;
	s21 =	sadd.s32 s10, s2;
	s4 =	simm.s32 $0x16000  }
0xc: {  	s2 =	simm.s32 $0x0;
	s19 =	sor.u32 s7, s17;
	s29 =	sshrl.u32 s21, $0x3  }
0xd: {  	s20 =	sshrl.u32 s18, $0x1;
	s25 =	sshll.u32 s19, $0x3;
	[dreg:$0xe] =	wrdreg s29  }
0xe: {  	s7 =	sshrl.u32 s19, $0x3;
	s26 =	sor.u32 $0x1000, s19;
	[dreg:$0xa] =	wrdreg s25  }
0xf: {  	s0 =	ssub.s32 s18, s20;
	s1 =	sadd.s32 s1, s7;
	[dreg:$0xb] =	wrdreg s26  }
0x10: {  	s17 =	sor.u32 $0x800, s19;
	s23 =	sadd.s32 s5, s7;
	[dreg:$0x7] =	wrdreg s1  }
0x11: {  	s19 =	simm.s32 $0x3;
	s24 =	sadd.s32 s6, s7;
	[dreg:$0x8] =	wrdreg s23  }
0x12: {  	s18 =	simm.s32 $0x2;
	s0 =	smax.u32 s0, $0x1;
	[dreg:$0x9] =	wrdreg s24  }
0x13: {  	[dreg:$0xc] =	wrdreg s0;
	s0 =	sor.u32 $0x1C03, s28;
	s23 =	simm.s32 $0x1000  }
0x14: {  	s24 =	simm.s32 $0x4000;
	[dreg:$0xd] =	wrdreg s0;
	s0 =	simm.s32 $0x400  }
.LBB2_1:
0x15: {  	[dreg:$0xf] =	wrdreg s2  }
0x16: {  	s1 =	simm.s32 $0x0;
	s29 =	rddreg [dreg:$0x5];
	s3 =	simm.s32 $0x1800  }
0x17: {  	[tilespmem:s3], [sflag:$0x3] =	stream.linear.gather [hbm4b:s29+s1], $0x800, $0x38;
	[tilespmem:$0x1F000] =	vst v63  }
0x18: {  	_ =	swait.ge [sflag:s19], $0x800  }
0x19: {  	[sflag:s19] =	ssyncset.done $0x0  }
0x1a: {  	s16 =	simm.s32 $0x0;
	[sflag:s19] =	ssyncadd.s32 $0xFFFFF800  }
.LBB2_2:
0x1b: {  	s3 =	sshll.u32 s16, $0x13;
	s1 =	rddreg [dreg:$0x6]  }
0x1c: {  	s14 =	rddreg [dreg:$0x4];
	s3 =	sor.u32 s1, s3  }
0x1d: {  	s15 =	rddreg [dreg:$0xd];
	s3 =	sshrl.u32 s3, $0x3  }
0x1e: {  	s2 =	rddreg [dreg:$0xe];
	s3 =	sadd.s32 s14, s3  }
0x1f: {  	[spmem:s2], [sflag:s15] =	dma.local [hbm:s3], $0x1000  }
0x20: {  	_ =	swait.ge [sflag:s19], $0x1000  }
0x21: {  	[sflag:s19] =	ssyncset.done $0x0  }
0x22: {  	[sflag:s19] =	ssyncadd.s32 $0xFFFFF000  }
0x23: {  	s20 =	sshll.u32 s16, $0x7;
	[bflag:$0x0] =	sbarrier.arrive $0xFFFF  }
0x24: {  	s21 =	simm.s32 $0x0;
	s3 =	sand.u32 $0x3FFFFF80, s20;
	s25 =	rddreg [dreg:$0x7]  }
0x25: {  	v0 =	vld [tilespmem:s3+$0x1800];
	[tilespmem:s21], [sflag:$0x3] =	stream.linear.gather [hbm4b:s25+s21], $0x800, $0x38  }
0x26: {  	_ =	swait.ge [sflag:s19], $0x800  }
0x27: {  	[sflag:s19] =	ssyncset.done $0x0  }
0x28: {  	s28 =	simm.s32 $0x800;
	s26 =	rddreg [dreg:$0x8];
	[sflag:s19] =	ssyncadd.s32 $0xFFFFF800  }
0x29: {  	[tilespmem:s28], [sflag:$0x3] =	stream.linear.gather [hbm4b:s26+s21], $0x800, $0x38;
	[tilespmem:$0x1F000] =	vst v63  }
0x2a: {  	_ =	swait.ge [sflag:s19], $0x800  }
0x2b: {  	[sflag:s19] =	ssyncset.done $0x0  }
0x2c: {  	s29 =	rddreg [dreg:$0x9];
	[sflag:s19] =	ssyncadd.s32 $0xFFFFF800  }
0x2d: {  	[tilespmem:s23], [sflag:$0x3] =	stream.linear.gather [hbm4b:s29+s21], $0x800, $0x38;
	[tilespmem:$0x1F000] =	vst v63  }
0x2e: {  	_ =	swait.ge [sflag:s19], $0x800  }
0x2f: {  	[sflag:s19] =	ssyncset.done $0x0  }
0x30: {  	s7 =	simm.s32 $0x0;
	[sflag:s19] =	ssyncadd.s32 $0xFFFFF800  }
0x31: {  	v1 =	vld [tilespmem:s7+$0x800]  }
0x32: {  	v2 =	vld [tilespmem:s7+$0x0]  }
0x33: {  	v3 =	vld [tilespmem:s7+$0x1000];
	_ =	sdelay $0x2  }
0x34: {  	v1 =	vmul.f32 v1, v0  }
0x35: {  	v2 =	vmul.f32 v2, v0  }
0x36: {  	v3 =	vmul.f32 v3, v0;
	v4 =	vtrunc.f32 v1  }
0x37: {  	v5 =	vtrunc.f32 v2;
	v4 =	vcvt.f32.s32 v4  }
0x38: {  	v6 =	vtrunc.f32 v3;
	v5 =	vcvt.f32.s32 v5  }
0x39: {  	v6 =	vcvt.f32.s32 v6;
	v7 =	vcvt.s32.f32 v4  }
0x3a: {  	v8 =	vcvt.s32.f32 v5  }
0x3b: {  	s8 =	sand.u32 $0x1E00, s21;
	s10 =	sand.u32 $0x70, s21;
	v4 =	vmul.u32 $0x9E3779B1, v4;
	v9 =	vcvt.s32.f32 v6;
	v1 =	vsub.f32 v1, v7  }
0x3c: {  	s8 =	sor.u32 s10, s8;
	v6 =	vmul.u32 $0x30025795, v6;
	v2 =	vsub.f32 v2, v8  }
0x3d: {  	v61 =	vadd.s32 $0x9E3779B1, v4;
	v62 =	vxor.u32 v5, v4;
	v3 =	vsub.f32 v3, v9;
	[tilespmem:s8+$0x2080] =	vst v1  }
0x3e: {  	v63 =	vadd.s32 $0x30025795, v6;
	v10 =	vxor.u32 v6, v62;
	v1 =	vadd.s32 $0x1, v5;
	[tilespmem:s8+$0x2000] =	vst v2  }
0x3f: {  	v2 =	vxor.u32 v62, v63;
	v5 =	vxor.u32 v5, v61;
	[tilespmem:s8+$0x2100] =	vst v3;
	v3 =	vand.u32 $0x7FFFF, v10  }
0x40: {  	s13 =	sand.u32 $0x7F0, s21;
	v7 =	vxor.u32 v1, v61;
	[tilespmem:s7+$0x6000] =	vst v3;
	v2 =	vand.u32 $0x7FFFF, v2;
	v3 =	vxor.u32 v6, v5  }
0x41: {  	v1 =	vxor.u32 v1, v4;
	v4 =	vxor.u32 v6, v7;
	[tilespmem:s13+$0x6800] =	vst v2;
	v2 =	vand.u32 $0x7FFFF, v3  }
0x42: {  	v3 =	vxor.u32 v6, v1;
	v4 =	vand.u32 $0x7FFFF, v4;
	[tilespmem:s13+$0x7000] =	vst v2  }
0x43: {  	s11 =	simm.s32 $0x20;
	s10 =	simm.s32 $0x40;
	v5 =	vxor.u32 v63, v5;
	v1 =	vxor.u32 v1, v63;
	v6 =	vand.u32 $0x7FFFF, v3;
	[tilespmem:s13+$0x9000] =	vst v4  }
0x44: {  	s3 =	simm.s32 $0x10;
	s8 =	sand.u32 $0x1E00, s10;
	s7 =	simm.s32 $0x10;
	v1 =	vand.u32 $0x7FFFF, v1;
	v2 =	vxor.u32 v63, v7;
	v3 =	vand.u32 $0x7FFFF, v5;
	[tilespmem:s13+$0x8000] =	vst v6  }
.LBB2_3:
0x45: {  	p0 =	sne.s32 s11, $0x7F0  }
0x46: {  	s10 =	sadd.s32 $0x40, s10;
	[tilespmem:s13+$0x7800] =	vst v3;
	s12 =	smov.u32 s11;
	s11 =	sadd.s32 $0x10, s11  }
0x47: {  	s14 =	sand.u32 $0x1E00, s10;
	[tilespmem:s13+$0x8800] =	vst v1;
	v1 =	vand.u32 $0x7FFFF, v2  }
0x48: {  	[tilespmem:s13+$0x9800] =	vst v1  }
0x49: {  	v1 =	vld [tilespmem:s7+$0x800]  }
0x4a: {  	v2 =	vld [tilespmem:s7+$0x0]  }
0x4b: {  	v3 =	vld [tilespmem:s7+$0x1000];
	_ =	sdelay $0x2  }
0x4c: {  	v1 =	vmul.f32 v1, v0  }
0x4d: {  	s15 =	sshra.s32 s10, $0x2;
	v2 =	vmul.f32 v2, v0  }
0x4e: {  	v3 =	vmul.f32 v3, v0;
	v4 =	vtrunc.f32 v1  }
0x4f: {  	v4 =	vcvt.f32.s32 v4  }
0x50: {  	v5 =	vtrunc.f32 v2;
	v6 =	vtrunc.f32 v3  }
0x51: {  	v5 =	vcvt.f32.s32 v5;
	v6 =	vcvt.f32.s32 v6;
	v7 =	vmul.u32 $0x9E3779B1, v4  }
0x52: {  	v4 =	vcvt.s32.f32 v4  }
0x53: {  	v8 =	vcvt.s32.f32 v5;
	v9 =	vcvt.s32.f32 v6;
	v6 =	vmul.u32 $0x30025795, v6  }
0x54: {  	s13 =	sand.u32 $0x70, s3;
	v1 =	vsub.f32 v1, v4;
	v4 =	vadd.s32 $0x9E3779B1, v7;
	v10 =	vxor.u32 v5, v7  }
0x55: {  	s13 =	sor.u32 s13, s8;
	s8 =	smov.u32 s14;
	v2 =	vsub.f32 v2, v8;
	v3 =	vsub.f32 v3, v9;
	v8 =	vadd.s32 $0x30025795, v6  }
0x56: {  	v9 =	vxor.u32 v6, v10;
	[tilespmem:s13+$0x2080] =	vst v1;
	v1 =	vadd.s32 $0x1, v5;
	v10 =	vxor.u32 v10, v8  }
0x57: {  	[tilespmem:s13+$0x2000] =	vst v2;
	v2 =	vxor.u32 v5, v4;
	v5 =	vxor.u32 v1, v7;
	v4 =	vxor.u32 v1, v4  }
0x58: {  	v1 =	vand.u32 $0x7FFFF, v9;
	[tilespmem:s13+$0x2100] =	vst v3;
	v3 =	vxor.u32 v6, v5;
	v5 =	vxor.u32 v5, v8  }
.Ltmp0:
0x59: {  	s13 =	sand.u32 $0x7F0, s3;
	v7 =	vxor.u32 v6, v2;
	v6 =	vxor.u32 v6, v4;
	s3 =	smov.u32 s12;
	[tilespmem:s7+$0x6000] =	vst v1;
	v1 =	vand.u32 $0x7FFFF, v10;
	(pc) =	sbr.rel @p0 .LBB2_3-.Ltmp0, $4  }
0x5a: {  	v6 =	vand.u32 $0x7FFFF, v6;
	s7 =	smov.u32 s15;
	[tilespmem:s13+$0x6800] =	vst v1;
	v1 =	vand.u32 $0x7FFFF, v7;
	v7 =	vxor.u32 v8, v2  }
0x5b: {  	v2 =	vxor.u32 v8, v4;
	[tilespmem:s13+$0x7000] =	vst v1;
	v1 =	vand.u32 $0x7FFFF, v5  }
0x5c: {  	v4 =	vand.u32 $0x7FFFF, v3;
	[tilespmem:s13+$0x9000] =	vst v6  }
0x5d: {  	v3 =	vand.u32 $0x7FFFF, v7;
	[tilespmem:s13+$0x8000] =	vst v4  }
0x5e: {  	[tilespmem:s13+$0x7800] =	vst v3  }
0x5f: {  	[tilespmem:s13+$0x8800] =	vst v1;
	v1 =	vand.u32 $0x7FFFF, v2  }
0x60: {  	[tilespmem:s13+$0x9800] =	vst v1  }
0x61: {  	v1 =	vld [tilespmem:s7+$0x800]  }
0x62: {  	v2 =	vld [tilespmem:s7+$0x0]  }
0x63: {  	v3 =	vld [tilespmem:s7+$0x1000];
	_ =	sdelay $0x2  }
0x64: {  	v1 =	vmul.f32 v1, v0  }
0x65: {  	v2 =	vmul.f32 v2, v0  }
0x66: {  	v3 =	vmul.f32 v3, v0;
	v4 =	vtrunc.f32 v1  }
0x67: {  	v5 =	vtrunc.f32 v2;
	v4 =	vcvt.f32.s32 v4  }
0x68: {  	v6 =	vtrunc.f32 v3;
	v5 =	vcvt.f32.s32 v5  }
0x69: {  	v6 =	vcvt.f32.s32 v6;
	v7 =	vcvt.s32.f32 v4  }
0x6a: {  	v8 =	vcvt.s32.f32 v5  }
0x6b: {  	s10 =	sand.u32 $0x70, s3;
	v4 =	vmul.u32 $0x9E3779B1, v4;
	v9 =	vcvt.s32.f32 v6;
	v1 =	vsub.f32 v1, v7  }
0x6c: {  	s8 =	sor.u32 s10, s8;
	v6 =	vmul.u32 $0x30025795, v6;
	v61 =	vadd.s32 $0x1, v5;
	v2 =	vsub.f32 v2, v8  }
0x6d: {  	v59 =	vadd.s32 $0x9E3779B1, v4;
	v60 =	vxor.u32 v5, v4;
	v3 =	vsub.f32 v3, v9;
	[tilespmem:s8+$0x2080] =	vst v1  }
0x6e: {  	v10 =	vxor.u32 v6, v60;
	v7 =	vxor.u32 v61, v59;
	[tilespmem:s8+$0x2000] =	vst v2  }
0x6f: {  	v1 =	vadd.s32 $0x30025795, v6;
	[tilespmem:s8+$0x2100] =	vst v3;
	v3 =	vand.u32 $0x7FFFF, v10;
	v62 =	vxor.u32 v6, v7  }
0x70: {  	s25 =	sand.u32 $0x7F0, s3;
	v5 =	vxor.u32 v5, v59;
	v2 =	vxor.u32 v60, v1;
	[tilespmem:s7+$0x6000] =	vst v3;
	v63 =	vand.u32 $0x7FFFF, v62  }
0x71: {  	v4 =	vxor.u32 v61, v4;
	v3 =	vxor.u32 v6, v5;
	v2 =	vand.u32 $0x7FFFF, v2;
	[tilespmem:s25+$0x9000] =	vst v63  }
0x72: {  	[tilespmem:s25+$0x6800] =	vst v2;
	v2 =	vand.u32 $0x7FFFF, v3;
	v3 =	vxor.u32 v6, v4  }
0x73: {  	s26 =	sshll.u32 s16, $0x8;
	s28 =	sshll.u32 s16, $0x15;
	[tilespmem:s25+$0x7000] =	vst v2;
	v2 =	vxor.u32 v1, v5;
	v3 =	vand.u32 $0x7FFFF, v3  }
0x74: {  	s1 =	simm.s32 $0x6000;
	s3 =	sand.u32 $0x300, s26;
	s7 =	sand.u32 $0x1800000, s28;
	v4 =	vxor.u32 v4, v1;
	v2 =	vand.u32 $0x7FFFF, v2;
	[tilespmem:s25+$0x8000] =	vst v3  }
0x75: {  	s2 =	simm.s32 $0xE000;
	s29 =	rddreg [dreg:$0xa];
	s3 =	sor.u32 s3, s7;
	v1 =	vxor.u32 v1, v7;
	v3 =	vand.u32 $0x7FFFF, v4;
	[tilespmem:s25+$0x7800] =	vst v2  }
0x76: {  	[dreg:$0x10] =	wrdreg s16;
	s16 =	sor.u32 s29, s3;
	s3 =	sshrl.u32 s3, $0x3;
	v1 =	vand.u32 $0x7FFFF, v1;
	[tilespmem:s25+$0x8800] =	vst v3  }
0x77: {  	s10 =	simm.s32 $0x0;
	s7 =	simm.s32 $0x0;
	s3 =	sadd.s32 s9, s3;
	[tilespmem:s25+$0x9800] =	vst v1  }
0x78: {  	[tilespmem:s2], [sflag:$0x1] =	stream.indirect.gather [spmem:s22], $0x1, s1, s24, $0xb8;
	[tilespmem:$0x1F000] =	vst v63  }
.LBB2_5:
0x79: {  	s12 =	sshll.u32 s10, $0xC  }
0x7a: {  	s11 =	sor.u32 s17, s12  }
0x7b: {  	s1 =	rddreg [dreg:$0x0];
	s8 =	sshrl.u32 s11, $0x3  }
0x7c: {  	s13 =	sadd.s32 s1, s8  }
0x7d: {  	[tilespmem:s7], [sflag:$0x3] =	stream.linear.gather [hbm4b:s13+s7], $0x800, $0x38;
	[tilespmem:$0x1F000] =	vst v63  }
0x7e: {  	_ =	swait.ge [sflag:s19], $0x800  }
0x7f: {  	[sflag:s19] =	ssyncset.done $0x0  }
0x80: {  	s26 =	simm.s32 $0x800;
	s25 =	sadd.s32 s5, s8;
	[sflag:s19] =	ssyncadd.s32 $0xFFFFF800  }
0x81: {  	[tilespmem:s26], [sflag:$0x3] =	stream.linear.gather [hbm4b:s25+s7], $0x800, $0x38;
	[tilespmem:$0x1F000] =	vst v63  }
0x82: {  	_ =	swait.ge [sflag:s19], $0x800  }
0x83: {  	[sflag:s19] =	ssyncset.done $0x0  }
0x84: {  	s8 =	sadd.s32 s6, s8;
	[sflag:s19] =	ssyncadd.s32 $0xFFFFF800  }
0x85: {  	[tilespmem:s23], [sflag:$0x3] =	stream.linear.gather [hbm4b:s8+s7], $0x800, $0x38;
	[tilespmem:$0x1F000] =	vst v63  }
0x86: {  	_ =	swait.ge [sflag:s19], $0x800  }
0x87: {  	[sflag:s19] =	ssyncset.done $0x0  }
0x88: {  	s28 =	simm.s32 $0x0;
	[sflag:s19] =	ssyncadd.s32 $0xFFFFF800  }
0x89: {  	v1 =	vld [tilespmem:s28+$0x800]  }
0x8a: {  	v2 =	vld [tilespmem:s28+$0x0]  }
0x8b: {  	v3 =	vld [tilespmem:s28+$0x1000];
	_ =	sdelay $0x2  }
0x8c: {  	v1 =	vmul.f32 v1, v0  }
0x8d: {  	v2 =	vmul.f32 v2, v0  }
0x8e: {  	v3 =	vmul.f32 v3, v0;
	v4 =	vtrunc.f32 v1  }
0x8f: {  	v5 =	vtrunc.f32 v2;
	v4 =	vcvt.f32.s32 v4  }
0x90: {  	v6 =	vtrunc.f32 v3;
	v5 =	vcvt.f32.s32 v5  }
0x91: {  	v6 =	vcvt.f32.s32 v6;
	v7 =	vcvt.s32.f32 v4  }
0x92: {  	v8 =	vcvt.s32.f32 v5  }
0x93: {  	s29 =	sand.u32 $0x1E00, s7;
	s14 =	sand.u32 $0x70, s7;
	v4 =	vmul.u32 $0x9E3779B1, v4;
	v9 =	vcvt.s32.f32 v6;
	v1 =	vsub.f32 v1, v7  }
0x94: {  	s13 =	sor.u32 s14, s29;
	v6 =	vmul.u32 $0x30025795, v6;
	v2 =	vsub.f32 v2, v8  }
0x95: {  	v61 =	vadd.s32 $0x9E3779B1, v4;
	v62 =	vxor.u32 v5, v4;
	v3 =	vsub.f32 v3, v9;
	[tilespmem:s13+$0x4080] =	vst v1  }
0x96: {  	v63 =	vadd.s32 $0x30025795, v6;
	v10 =	vxor.u32 v6, v62;
	v1 =	vadd.s32 $0x1, v5;
	[tilespmem:s13+$0x4000] =	vst v2  }
0x97: {  	v2 =	vxor.u32 v62, v63;
	v5 =	vxor.u32 v5, v61;
	[tilespmem:s13+$0x4100] =	vst v3;
	v3 =	vand.u32 $0x7FFFF, v10  }
0x98: {  	s25 =	sand.u32 $0x7F0, s7;
	v7 =	vxor.u32 v1, v61;
	[tilespmem:s28+$0xA000] =	vst v3;
	v2 =	vand.u32 $0x7FFFF, v2;
	v3 =	vxor.u32 v6, v5  }
0x99: {  	v1 =	vxor.u32 v1, v4;
	v4 =	vxor.u32 v6, v7;
	[tilespmem:s25+$0xA800] =	vst v2;
	v2 =	vand.u32 $0x7FFFF, v3  }
0x9a: {  	v3 =	vxor.u32 v6, v1;
	v4 =	vand.u32 $0x7FFFF, v4;
	[tilespmem:s25+$0xB000] =	vst v2  }
0x9b: {  	s15 =	simm.s32 $0x40;
	s20 =	simm.s32 $0x20;
	v5 =	vxor.u32 v63, v5;
	v1 =	vxor.u32 v1, v63;
	v6 =	vand.u32 $0x7FFFF, v3;
	[tilespmem:s25+$0xD000] =	vst v4  }
0x9c: {  	s14 =	sand.u32 $0x1E00, s15;
	s8 =	simm.s32 $0x10;
	s13 =	simm.s32 $0x10;
	v1 =	vand.u32 $0x7FFFF, v1;
	v2 =	vxor.u32 v63, v7;
	v3 =	vand.u32 $0x7FFFF, v5;
	[tilespmem:s25+$0xC000] =	vst v6  }
.LBB2_6:
0x9d: {  	p0 =	sne.s32 s20, $0x7F0  }
0x9e: {  	s15 =	sadd.s32 $0x40, s15;
	[tilespmem:s25+$0xB800] =	vst v3;
	s21 =	smov.u32 s20;
	s20 =	sadd.s32 $0x10, s20  }
0x9f: {  	s26 =	sand.u32 $0x1E00, s15;
	[tilespmem:s25+$0xC800] =	vst v1;
	v1 =	vand.u32 $0x7FFFF, v2  }
0xa0: {  	[tilespmem:s25+$0xD800] =	vst v1  }
0xa1: {  	v1 =	vld [tilespmem:s8+$0x800]  }
0xa2: {  	v2 =	vld [tilespmem:s8+$0x0]  }
0xa3: {  	v3 =	vld [tilespmem:s8+$0x1000];
	_ =	sdelay $0x2  }
0xa4: {  	v1 =	vmul.f32 v1, v0  }
0xa5: {  	s28 =	sshra.s32 s15, $0x2;
	v2 =	vmul.f32 v2, v0  }
0xa6: {  	v3 =	vmul.f32 v3, v0;
	v4 =	vtrunc.f32 v1  }
0xa7: {  	v4 =	vcvt.f32.s32 v4  }
0xa8: {  	v5 =	vtrunc.f32 v2;
	v6 =	vtrunc.f32 v3  }
0xa9: {  	v5 =	vcvt.f32.s32 v5;
	v6 =	vcvt.f32.s32 v6;
	v7 =	vmul.u32 $0x9E3779B1, v4  }
0xaa: {  	v4 =	vcvt.s32.f32 v4  }
0xab: {  	v8 =	vcvt.s32.f32 v5;
	v9 =	vcvt.s32.f32 v6;
	v6 =	vmul.u32 $0x30025795, v6  }
0xac: {  	s25 =	sand.u32 $0x70, s13;
	v1 =	vsub.f32 v1, v4;
	v4 =	vadd.s32 $0x9E3779B1, v7;
	v10 =	vxor.u32 v5, v7  }
0xad: {  	s25 =	sor.u32 s25, s14;
	s14 =	smov.u32 s26;
	v2 =	vsub.f32 v2, v8;
	v3 =	vsub.f32 v3, v9;
	v8 =	vadd.s32 $0x30025795, v6  }
0xae: {  	v9 =	vxor.u32 v6, v10;
	[tilespmem:s25+$0x4080] =	vst v1;
	v1 =	vadd.s32 $0x1, v5;
	v10 =	vxor.u32 v10, v8  }
0xaf: {  	[tilespmem:s25+$0x4000] =	vst v2;
	v2 =	vxor.u32 v5, v4;
	v5 =	vxor.u32 v1, v7;
	v4 =	vxor.u32 v1, v4  }
0xb0: {  	v1 =	vand.u32 $0x7FFFF, v9;
	[tilespmem:s25+$0x4100] =	vst v3;
	v3 =	vxor.u32 v6, v5;
	v5 =	vxor.u32 v5, v8  }
.Ltmp1:
0xb1: {  	s25 =	sand.u32 $0x7F0, s13;
	v7 =	vxor.u32 v6, v2;
	v6 =	vxor.u32 v6, v4;
	s13 =	smov.u32 s21;
	[tilespmem:s8+$0xA000] =	vst v1;
	v1 =	vand.u32 $0x7FFFF, v10;
	(pc) =	sbr.rel @p0 .LBB2_6-.Ltmp1, $4  }
0xb2: {  	v6 =	vand.u32 $0x7FFFF, v6;
	s8 =	smov.u32 s28;
	[tilespmem:s25+$0xA800] =	vst v1;
	v1 =	vand.u32 $0x7FFFF, v7;
	v7 =	vxor.u32 v8, v2  }
0xb3: {  	v2 =	vxor.u32 v8, v4;
	[tilespmem:s25+$0xB000] =	vst v1;
	v1 =	vand.u32 $0x7FFFF, v5  }
0xb4: {  	v4 =	vand.u32 $0x7FFFF, v3;
	[tilespmem:s25+$0xD000] =	vst v6  }
0xb5: {  	v3 =	vand.u32 $0x7FFFF, v7;
	[tilespmem:s25+$0xC000] =	vst v4  }
0xb6: {  	[tilespmem:s25+$0xB800] =	vst v3  }
0xb7: {  	[tilespmem:s25+$0xC800] =	vst v1;
	v1 =	vand.u32 $0x7FFFF, v2  }
0xb8: {  	[tilespmem:s25+$0xD800] =	vst v1  }
0xb9: {  	v1 =	vld [tilespmem:s8+$0x800]  }
0xba: {  	v2 =	vld [tilespmem:s8+$0x0]  }
0xbb: {  	v3 =	vld [tilespmem:s8+$0x1000];
	_ =	sdelay $0x2  }
0xbc: {  	v1 =	vmul.f32 v1, v0  }
0xbd: {  	v2 =	vmul.f32 v2, v0  }
0xbe: {  	v3 =	vmul.f32 v3, v0;
	v4 =	vtrunc.f32 v1  }
0xbf: {  	v5 =	vtrunc.f32 v2;
	v4 =	vcvt.f32.s32 v4  }
0xc0: {  	v6 =	vtrunc.f32 v3;
	v5 =	vcvt.f32.s32 v5  }
0xc1: {  	v6 =	vcvt.f32.s32 v6;
	v7 =	vcvt.s32.f32 v4  }
0xc2: {  	v8 =	vcvt.s32.f32 v5  }
0xc3: {  	s15 =	sand.u32 $0x70, s13;
	v4 =	vmul.u32 $0x9E3779B1, v4;
	v9 =	vcvt.s32.f32 v6;
	v1 =	vsub.f32 v1, v7  }
0xc4: {  	s14 =	sor.u32 s15, s14;
	v6 =	vmul.u32 $0x30025795, v6;
	v2 =	vsub.f32 v2, v8  }
0xc5: {  	v7 =	vadd.s32 $0x9E3779B1, v4;
	v8 =	vxor.u32 v5, v4;
	v3 =	vsub.f32 v3, v9;
	[tilespmem:s14+$0x4080] =	vst v1  }
0xc6: {  	v9 =	vadd.s32 $0x1, v5;
	v10 =	vxor.u32 v6, v8;
	v1 =	vadd.s32 $0x30025795, v6;
	[tilespmem:s14+$0x4000] =	vst v2  }
0xc7: {  	v5 =	vxor.u32 v5, v7;
	[tilespmem:s14+$0x4100] =	vst v3;
	v3 =	vand.u32 $0x7FFFF, v10;
	v2 =	vxor.u32 v8, v1  }
0xc8: {  	s21 =	sand.u32 $0x7F0, s13;
	v7 =	vxor.u32 v9, v7;
	[tilespmem:s8+$0xA000] =	vst v3;
	v3 =	vxor.u32 v6, v5;
	v2 =	vand.u32 $0x7FFFF, v2  }
0xc9: {  	v4 =	vxor.u32 v9, v4;
	v8 =	vxor.u32 v6, v7;
	[tilespmem:s21+$0xA800] =	vst v2;
	v2 =	vand.u32 $0x7FFFF, v3  }
0xca: {  	v3 =	vxor.u32 v6, v4;
	v6 =	vand.u32 $0x7FFFF, v8;
	[tilespmem:s21+$0xB000] =	vst v2  }
0xcb: {  	v2 =	vxor.u32 v1, v5;
	v3 =	vand.u32 $0x7FFFF, v3;
	[tilespmem:s21+$0xD000] =	vst v6  }
0xcc: {  	v4 =	vxor.u32 v4, v1;
	v2 =	vand.u32 $0x7FFFF, v2;
	[tilespmem:s21+$0xC000] =	vst v3  }
0xcd: {  	v1 =	vxor.u32 v1, v7;
	v3 =	vand.u32 $0x7FFFF, v4;
	[tilespmem:s21+$0xB800] =	vst v2  }
0xce: {  	v1 =	vand.u32 $0x7FFFF, v1;
	[tilespmem:s21+$0xC800] =	vst v3  }
0xcf: {  	s1 =	simm.s32 $0xA000;
	s2 =	simm.s32 $0x12000;
	[tilespmem:s21+$0xD800] =	vst v1  }
0xd0: {  	[tilespmem:s2], [sflag:$0x2] =	stream.indirect.gather [spmem:s22], $0x1, s1, s24, $0xb8;
	[tilespmem:$0x1F000] =	vst v63  }
0xd1: {  	_ =	swait.ge [sflag:s30], $0x4000  }
0xd2: {  	s20 =	simm.s32 $0x0;
	[sflag:s30] =	ssyncset.done $0x0  }
0xd3: {  	s25 =	sand.u32 $0x7F0, s20;
	[sflag:s30] =	ssyncadd.s32 $0xFFFFC000  }
0xd4: {  	v1 =	vld [tilespmem:s25+$0xE800]  }
0xd5: {  	v2 =	vld [tilespmem:s25+$0x11800]  }
0xd6: {  	s26 =	simm.s32 $0xE000;
	v3 =	vld [tilespmem:s25+$0xF800]  }
0xd7: {  	v4 =	vld [tilespmem:s26+$0x0]  }
0xd8: {  	v5 =	vld [tilespmem:s25+$0xF000]  }
0xd9: {  	v6 =	vld [tilespmem:s25+$0x11000];
	_ =	sdelay $0x1  }
0xda: {  	s29 =	simm.s32 $0x0;
	v8 =	vld [tilespmem:s25+$0x10000];
	v7 =	vand.u32 $0xFFFF0000, v1  }
0xdb: {  	s13 =	sand.u32 $0x3FFFFE00, s29;
	s21 =	sand.u32 $0x70, s20;
	v1 =	vshll.u32 v1, $0x10;
	v9 =	vand.u32 $0xFFFF0000, v3;
	v10 =	vand.u32 $0xFFFF0000, v2  }
0xdc: {  	s26 =	sor.u32 s21, s13;
	v11 =	vld [tilespmem:s25+$0x10800];
	v12 =	vshll.u32 v4, $0x10;
	v3 =	vshll.u32 v3, $0x10;
	v2 =	vshll.u32 v2, $0x10  }
0xdd: {  	v13 =	vld [tilespmem:s26+$0x2100];
	v14 =	vand.u32 $0xFFFF0000, v4;
	v15 =	vshll.u32 v5, $0x10;
	v16 =	vshll.u32 v6, $0x10  }
0xde: {  	v4 =	vand.u32 $0xFFFF0000, v6;
	v17 =	vand.u32 $0xFFFF0000, v5;
	v1 =	vsub.f32 v1, v12  }
0xdf: {  	v6 =	vshll.u32 v8, $0x10;
	v3 =	vsub.f32 v3, v15;
	v5 =	vsub.f32 v10, v4  }
0xe0: {  	v8 =	vand.u32 $0xFFFF0000, v8;
	v2 =	vsub.f32 v2, v16;
	v9 =	vsub.f32 v9, v17  }
0xe1: {  	v10 =	vshll.u32 v11, $0x10;
	v11 =	vand.u32 $0xFFFF0000, v11;
	v7 =	vsub.f32 v7, v14  }
0xe2: {  	v10 =	vsub.f32 v10, v6;
	v1 =	vmul.f32 v1, v13;
	v5 =	vmul.f32 v5, v13  }
0xe3: {  	v11 =	vsub.f32 v11, v8;
	v18 =	vmul.f32 v2, v13;
	v7 =	vmul.f32 v7, v13  }
0xe4: {  	v63 =	vmul.f32 v3, v13;
	v10 =	vmul.f32 v10, v13;
	v2 =	vadd.f32 v12, v1  }
0xe5: {  	v1 =	vmul.f32 v11, v13;
	v11 =	vadd.f32 v4, v5;
	v4 =	vld [tilespmem:s26+$0x2080];
	v16 =	vadd.f32 v16, v18  }
0xe6: {  	v3 =	vadd.f32 v14, v7;
	v7 =	vmul.f32 v9, v13;
	v6 =	vadd.f32 v6, v10  }
0xe7: {  	v5 =	vadd.f32 v8, v1;
	v1 =	vadd.f32 v15, v63  }
0xe8: {  	v8 =	vadd.f32 v17, v7;
	v10 =	vsub.f32 v16, v6  }
0xe9: {  	s28 =	simm.s32 $0x2;
	v7 =	vsub.f32 v11, v5;
	v9 =	vsub.f32 v1, v2  }
0xea: {  	s15 =	simm.s32 $0xE010;
	s14 =	simm.s32 $0x1;
	s8 =	simm.s32 $0x10;
	v8 =	vsub.f32 v8, v3;
	v10 =	vmul.f32 v10, v4  }
0xeb: {  	s13 =	sand.u32 $0x70, s8;
	s25 =	sand.u32 $0x7F0, s8;
	v1 =	vld [tilespmem:s26+$0x2000];
	s26 =	simm.s32 $0xE010;
	v7 =	vmul.f32 v7, v4;
	v9 =	vmul.f32 v9, v4  }
.LBB2_8:
0xec: {  	p0 =	sne.s32 s28, $0x7F;
	s8 =	sadd.s32 $0x10, s8;
	s15 =	sadd.s32 $0x10, s15;
	v4 =	vmul.f32 v8, v4  }
0xed: {  	s1 =	smov.u32 s28;
	s28 =	sadd.s32 $0x1, s28;
	s29 =	sand.u32 $0x70, s8;
	v2 =	vadd.f32 v9, v2;
	v6 =	vadd.f32 v10, v6  }
0xee: {  	v3 =	vadd.f32 v4, v3;
	v4 =	vadd.f32 v7, v5  }
0xef: {  	v5 =	vsub.f32 v6, v2  }
0xf0: {  	v4 =	vsub.f32 v4, v3  }
0xf1: {  	v5 =	vmul.f32 v5, v1  }
0xf2: {  	s2 =	sshll.u32 s20, $0x5;
	s20 =	smov.u32 s14;
	s14 =	smov.u32 s1;
	v1 =	vmul.f32 v4, v1  }
0xf3: {  	s1 =	sand.u32 $0x3FFFFF00, s2;
	v2 =	vadd.f32 v5, v2  }
0xf4: {  	s1 =	sor.u32 s21, s1;
	s21 =	smov.u32 s13;
	s13 =	smov.u32 s29;
	v1 =	vadd.f32 v1, v3  }
0xf5: {  	s2 =	sadd.s32 $0x16000, s1;
	[tilespmem:s1+$0x16000] =	vst v2  }
0xf6: {  	s1 =	sand.u32 $0x7F0, s8;
	[tilespmem:s2+$0x80] =	vst v1  }
0xf7: {  	v1 =	vld [tilespmem:s25+$0xE800]  }
0xf8: {  	v2 =	vld [tilespmem:s25+$0x11800]  }
0xf9: {  	v3 =	vld [tilespmem:s25+$0xF800]  }
0xfa: {  	v4 =	vld [tilespmem:s26+$0x0];
	s26 =	smov.u32 s15  }
0xfb: {  	v5 =	vld [tilespmem:s25+$0xF000]  }
0xfc: {  	s2 =	sshll.u32 s20, $0x6;
	v6 =	vand.u32 $0xFFFF0000, v1;
	v7 =	vld [tilespmem:s25+$0x11000]  }
0xfd: {  	s2 =	sand.u32 $0x3FFFFE00, s2;
	v8 =	vshll.u32 v1, $0x10;
	v9 =	vld [tilespmem:s25+$0x10000]  }
0xfe: {  	s2 =	sor.u32 s21, s2;
	v12 =	vand.u32 $0xFFFF0000, v2;
	v10 =	vand.u32 $0xFFFF0000, v3;
	v11 =	vld [tilespmem:s25+$0x10800];
	s25 =	smov.u32 s1  }
0xff: {  	v2 =	vshll.u32 v2, $0x10;
	v3 =	vshll.u32 v3, $0x10;
	v1 =	vld [tilespmem:s2+$0x2000];
	v13 =	vshll.u32 v4, $0x10  }
0x100: {  	v15 =	vand.u32 $0xFFFF0000, v4;
	v14 =	vld [tilespmem:s2+$0x2100];
	v16 =	vshll.u32 v5, $0x10;
	v4 =	vsub.f32 v8, v13  }
0x101: {  	v8 =	vshll.u32 v7, $0x10;
	v7 =	vand.u32 $0xFFFF0000, v7;
	v3 =	vsub.f32 v3, v16  }
0x102: {  	v17 =	vand.u32 $0xFFFF0000, v5;
	v18 =	vshll.u32 v9, $0x10;
	v5 =	vsub.f32 v12, v7  }
0x103: {  	v10 =	vsub.f32 v10, v17;
	v9 =	vand.u32 $0xFFFF0000, v9;
	v2 =	vsub.f32 v2, v8  }
0x104: {  	v6 =	vsub.f32 v6, v15;
	v12 =	vshll.u32 v11, $0x10;
	v11 =	vand.u32 $0xFFFF0000, v11  }
0x105: {  	v11 =	vsub.f32 v11, v9;
	v4 =	vmul.f32 v4, v14;
	v5 =	vmul.f32 v5, v14  }
0x106: {  	v12 =	vsub.f32 v12, v18;
	v19 =	vmul.f32 v2, v14;
	v6 =	vmul.f32 v6, v14  }
0x107: {  	v11 =	vmul.f32 v11, v14;
	v2 =	vadd.f32 v13, v4;
	v7 =	vadd.f32 v7, v5  }
0x108: {  	v12 =	vmul.f32 v12, v14;
	v13 =	vmul.f32 v3, v14;
	v8 =	vadd.f32 v8, v19;
	v4 =	vld [tilespmem:s2+$0x2080]  }
0x109: {  	v10 =	vmul.f32 v10, v14;
	v3 =	vadd.f32 v15, v6;
	v5 =	vadd.f32 v9, v11  }
.Ltmp2:
0x10a: {  	v6 =	vadd.f32 v18, v12;
	v9 =	vadd.f32 v16, v13;
	(pc) =	sbr.rel @p0 .LBB2_8-.Ltmp2, $4  }
0x10b: {  	v10 =	vadd.f32 v17, v10;
	v7 =	vsub.f32 v7, v5  }
0x10c: {  	v11 =	vsub.f32 v8, v6;
	v9 =	vsub.f32 v9, v2  }
0x10d: {  	v8 =	vsub.f32 v10, v3;
	v7 =	vmul.f32 v7, v4  }
0x10e: {  	v9 =	vmul.f32 v9, v4;
	v10 =	vmul.f32 v11, v4  }
0x10f: {  	v4 =	vmul.f32 v8, v4  }
0x110: {  	v2 =	vadd.f32 v9, v2;
	v6 =	vadd.f32 v10, v6  }
0x111: {  	v49 =	vadd.f32 v7, v5;
	v3 =	vadd.f32 v4, v3  }
0x112: {  	v50 =	vsub.f32 v6, v2  }
0x113: {  	v4 =	vsub.f32 v49, v3  }
0x114: {  	v5 =	vmul.f32 v50, v1  }
0x115: {  	s1 =	sshll.u32 s20, $0x5;
	v1 =	vmul.f32 v4, v1  }
0x116: {  	s1 =	sand.u32 $0x3FFFFF00, s1;
	v2 =	vadd.f32 v5, v2  }
0x117: {  	s1 =	sor.u32 s21, s1;
	v1 =	vadd.f32 v1, v3  }
0x118: {  	s2 =	sadd.s32 $0x16000, s1;
	[tilespmem:s1+$0x16000] =	vst v2  }
0x119: {  	[tilespmem:s2+$0x80] =	vst v1  }
0x11a: {  	v1 =	vld [tilespmem:s25+$0xE800]  }
0x11b: {  	v2 =	vld [tilespmem:s25+$0x11800]  }
0x11c: {  	v3 =	vld [tilespmem:s25+$0xF800]  }
0x11d: {  	v51 =	vld [tilespmem:s26+$0x0]  }
0x11e: {  	v52 =	vld [tilespmem:s25+$0xF000]  }
0x11f: {  	v53 =	vld [tilespmem:s25+$0x11000]  }
0x120: {  	s21 =	sshll.u32 s14, $0x6;
	v54 =	vld [tilespmem:s25+$0x10000]  }
0x121: {  	s1 =	sand.u32 $0x3FFFFE00, s21;
	v57 =	vld [tilespmem:s25+$0x10800];
	v55 =	vand.u32 $0xFFFF0000, v1;
	v1 =	vshll.u32 v1, $0x10;
	v56 =	vand.u32 $0xFFFF0000, v3  }
0x122: {  	s1 =	sor.u32 s13, s1;
	v11 =	vand.u32 $0xFFFF0000, v2;
	v12 =	vshll.u32 v51, $0x10;
	v3 =	vshll.u32 v3, $0x10  }
0x123: {  	v13 =	vld [tilespmem:s1+$0x2100];
	v2 =	vshll.u32 v2, $0x10;
	v4 =	vand.u32 $0xFFFF0000, v51;
	v14 =	vshll.u32 v52, $0x10  }
0x124: {  	v15 =	vshll.u32 v53, $0x10;
	v6 =	vand.u32 $0xFFFF0000, v53;
	v5 =	vand.u32 $0xFFFF0000, v52  }
0x125: {  	v16 =	vshll.u32 v54, $0x10;
	v7 =	vand.u32 $0xFFFF0000, v54;
	v1 =	vsub.f32 v1, v12  }
0x126: {  	v17 =	vshll.u32 v57, $0x10;
	v3 =	vsub.f32 v3, v14;
	v11 =	vsub.f32 v11, v6  }
0x127: {  	v10 =	vand.u32 $0xFFFF0000, v57;
	v2 =	vsub.f32 v2, v15;
	v8 =	vsub.f32 v55, v4  }
0x128: {  	v10 =	vsub.f32 v10, v7;
	v1 =	vmul.f32 v1, v13;
	v11 =	vmul.f32 v11, v13  }
0x129: {  	v17 =	vsub.f32 v17, v16;
	v2 =	vmul.f32 v2, v13;
	v8 =	vmul.f32 v8, v13  }
0x12a: {  	v9 =	vsub.f32 v56, v5;
	v10 =	vmul.f32 v10, v13;
	v3 =	vmul.f32 v3, v13  }
0x12b: {  	v58 =	vmul.f32 v17, v13;
	v1 =	vadd.f32 v12, v1;
	v6 =	vadd.f32 v6, v11  }
0x12c: {  	v59 =	vld [tilespmem:s1+$0x2080];
	v60 =	vmul.f32 v9, v13;
	v2 =	vadd.f32 v15, v2;
	v4 =	vadd.f32 v4, v8  }
0x12d: {  	v3 =	vadd.f32 v14, v3;
	v61 =	vadd.f32 v16, v58  }
0x12e: {  	v7 =	vadd.f32 v7, v10;
	v5 =	vadd.f32 v5, v60  }
0x12f: {  	v3 =	vsub.f32 v3, v1;
	v2 =	vsub.f32 v2, v61  }
0x130: {  	v6 =	vsub.f32 v6, v7;
	v5 =	vsub.f32 v5, v4  }
0x131: {  	v3 =	vmul.f32 v3, v59;
	v2 =	vmul.f32 v2, v59  }
0x132: {  	v62 =	vld [tilespmem:s1+$0x2000];
	v6 =	vmul.f32 v6, v59;
	v5 =	vmul.f32 v5, v59  }
0x133: {  	v1 =	vadd.f32 v3, v1;
	v2 =	vadd.f32 v2, v61  }
0x134: {  	v3 =	vadd.f32 v5, v4;
	v63 =	vadd.f32 v6, v7  }
0x135: {  	v2 =	vsub.f32 v2, v1  }
0x136: {  	v4 =	vsub.f32 v63, v3  }
0x137: {  	v2 =	vmul.f32 v2, v62  }
0x138: {  	s26 =	sshll.u32 s14, $0x5;
	v4 =	vmul.f32 v4, v62  }
0x139: {  	s28 =	sshll.u32 s10, $0xF;
	s1 =	sand.u32 $0x3FFFFF00, s26;
	v1 =	vadd.f32 v2, v1  }
0x13a: {  	s2 =	sadd.s32 s16, s28;
	s1 =	sor.u32 s13, s1;
	v2 =	vadd.f32 v4, v3  }
0x13b: {  	p0 =	seq.s32 s10, $0x7;
	s29 =	sshrl.u32 s2, $0x3;
	s8 =	sadd.s32 $0x16000, s1;
	[tilespmem:s1+$0x16000] =	vst v1  }
.Ltmp3:
0x13c: {  	[tilespmem:s8+$0x80] =	vst v2;
	s1 =	sadd.s32 s9, s29;
	(pc) =	sbr.rel @p0 .LBB2_13-.Ltmp3, $4  }
0x13d: {  	[hbm4b:s1+s31] =	stream.strided.scatter [tilespmem:s4], [sflag:$0x3], $0x1000, s0, s31, $0x38;
	[tilespmem:$0x1F000] =	vst v63  }
0x13e: {  	_ =	swait.ge [sflag:s19], $0x1000  }
0x13f: {  	[sflag:s19] =	ssyncset.done $0x0  }
0x140: {  	[sflag:s19] =	ssyncadd.s32 $0xFFFFF000  }
0x141: {  	s1 =	rddreg [dreg:$0xb]  }
0x142: {  	s1 =	sadd.s32 s12, s1  }
0x143: {  	s2 =	rddreg [dreg:$0x0];
	s1 =	sshrl.u32 s1, $0x3  }
0x144: {  	s8 =	simm.s32 $0x0;
	s2 =	sadd.s32 s2, s1  }
0x145: {  	[tilespmem:s8], [sflag:$0x3] =	stream.linear.gather [hbm4b:s2+s8], $0x800, $0x38;
	[tilespmem:$0x1F000] =	vst v63  }
0x146: {  	_ =	swait.ge [sflag:s19], $0x800  }
0x147: {  	[sflag:s19] =	ssyncset.done $0x0  }
0x148: {  	s25 =	simm.s32 $0x800;
	s21 =	sadd.s32 s5, s1;
	[sflag:s19] =	ssyncadd.s32 $0xFFFFF800  }
0x149: {  	[tilespmem:s25], [sflag:$0x3] =	stream.linear.gather [hbm4b:s21+s8], $0x800, $0x38;
	[tilespmem:$0x1F000] =	vst v63  }
0x14a: {  	_ =	swait.ge [sflag:s19], $0x800  }
0x14b: {  	[sflag:s19] =	ssyncset.done $0x0  }
0x14c: {  	s1 =	sadd.s32 s6, s1;
	[sflag:s19] =	ssyncadd.s32 $0xFFFFF800  }
0x14d: {  	[tilespmem:s23], [sflag:$0x3] =	stream.linear.gather [hbm4b:s1+s8], $0x800, $0x38;
	[tilespmem:$0x1F000] =	vst v63  }
0x14e: {  	_ =	swait.ge [sflag:s19], $0x800  }
0x14f: {  	[sflag:s19] =	ssyncset.done $0x0  }
0x150: {  	s26 =	simm.s32 $0x0;
	[sflag:s19] =	ssyncadd.s32 $0xFFFFF800  }
0x151: {  	v1 =	vld [tilespmem:s26+$0x800]  }
0x152: {  	v2 =	vld [tilespmem:s26+$0x0]  }
0x153: {  	v3 =	vld [tilespmem:s26+$0x1000];
	_ =	sdelay $0x2  }
0x154: {  	v1 =	vmul.f32 v1, v0  }
0x155: {  	v2 =	vmul.f32 v2, v0  }
0x156: {  	v3 =	vmul.f32 v3, v0;
	v4 =	vtrunc.f32 v1  }
0x157: {  	v5 =	vtrunc.f32 v2;
	v4 =	vcvt.f32.s32 v4  }
0x158: {  	v6 =	vtrunc.f32 v3;
	v5 =	vcvt.f32.s32 v5  }
0x159: {  	v6 =	vcvt.f32.s32 v6;
	v7 =	vcvt.s32.f32 v4  }
0x15a: {  	v8 =	vcvt.s32.f32 v5  }
0x15b: {  	s28 =	sand.u32 $0x1E00, s8;
	s29 =	sand.u32 $0x70, s8;
	v4 =	vmul.u32 $0x9E3779B1, v4;
	v9 =	vcvt.s32.f32 v6;
	v1 =	vsub.f32 v1, v7  }
0x15c: {  	s2 =	sor.u32 s29, s28;
	v6 =	vmul.u32 $0x30025795, v6;
	v2 =	vsub.f32 v2, v8  }
0x15d: {  	v61 =	vadd.s32 $0x9E3779B1, v4;
	v62 =	vxor.u32 v5, v4;
	v3 =	vsub.f32 v3, v9;
	[tilespmem:s2+$0x2080] =	vst v1  }
0x15e: {  	v63 =	vadd.s32 $0x30025795, v6;
	v10 =	vxor.u32 v6, v62;
	v1 =	vadd.s32 $0x1, v5;
	[tilespmem:s2+$0x2000] =	vst v2  }
0x15f: {  	v2 =	vxor.u32 v62, v63;
	v5 =	vxor.u32 v5, v61;
	[tilespmem:s2+$0x2100] =	vst v3;
	v3 =	vand.u32 $0x7FFFF, v10  }
0x160: {  	s21 =	sand.u32 $0x7F0, s8;
	v7 =	vxor.u32 v1, v61;
	[tilespmem:s26+$0x6000] =	vst v3;
	v2 =	vand.u32 $0x7FFFF, v2;
	v3 =	vxor.u32 v6, v5  }
0x161: {  	v1 =	vxor.u32 v1, v4;
	v4 =	vxor.u32 v6, v7;
	[tilespmem:s21+$0x6800] =	vst v2;
	v2 =	vand.u32 $0x7FFFF, v3  }
0x162: {  	v3 =	vxor.u32 v6, v1;
	v4 =	vand.u32 $0x7FFFF, v4;
	[tilespmem:s21+$0x7000] =	vst v2  }
0x163: {  	s14 =	simm.s32 $0x40;
	s15 =	simm.s32 $0x20;
	v5 =	vxor.u32 v63, v5;
	v1 =	vxor.u32 v1, v63;
	v6 =	vand.u32 $0x7FFFF, v3;
	[tilespmem:s21+$0x9000] =	vst v4  }
0x164: {  	s12 =	simm.s32 $0x10;
	s13 =	sand.u32 $0x1E00, s14;
	s8 =	simm.s32 $0x10;
	v1 =	vand.u32 $0x7FFFF, v1;
	v2 =	vxor.u32 v63, v7;
	v3 =	vand.u32 $0x7FFFF, v5;
	[tilespmem:s21+$0x8000] =	vst v6  }
.LBB2_11:
0x165: {  	p0 =	sne.s32 s15, $0x7F0  }
0x166: {  	s14 =	sadd.s32 $0x40, s14;
	[tilespmem:s21+$0x7800] =	vst v3;
	s20 =	smov.u32 s15;
	s15 =	sadd.s32 $0x10, s15  }
0x167: {  	s1 =	sand.u32 $0x1E00, s14;
	[tilespmem:s21+$0x8800] =	vst v1;
	v1 =	vand.u32 $0x7FFFF, v2  }
0x168: {  	[tilespmem:s21+$0x9800] =	vst v1  }
0x169: {  	v1 =	vld [tilespmem:s8+$0x800]  }
0x16a: {  	v2 =	vld [tilespmem:s8+$0x0]  }
0x16b: {  	v3 =	vld [tilespmem:s8+$0x1000];
	_ =	sdelay $0x2  }
0x16c: {  	v1 =	vmul.f32 v1, v0  }
0x16d: {  	s2 =	sshra.s32 s14, $0x2;
	v2 =	vmul.f32 v2, v0  }
0x16e: {  	v3 =	vmul.f32 v3, v0;
	v4 =	vtrunc.f32 v1  }
0x16f: {  	v4 =	vcvt.f32.s32 v4  }
0x170: {  	v5 =	vtrunc.f32 v2;
	v6 =	vtrunc.f32 v3  }
0x171: {  	v5 =	vcvt.f32.s32 v5;
	v6 =	vcvt.f32.s32 v6;
	v7 =	vmul.u32 $0x9E3779B1, v4  }
0x172: {  	v4 =	vcvt.s32.f32 v4  }
0x173: {  	v8 =	vcvt.s32.f32 v5;
	v9 =	vcvt.s32.f32 v6;
	v6 =	vmul.u32 $0x30025795, v6  }
0x174: {  	s21 =	sand.u32 $0x70, s12;
	v1 =	vsub.f32 v1, v4;
	v4 =	vadd.s32 $0x9E3779B1, v7;
	v10 =	vxor.u32 v5, v7  }
0x175: {  	s21 =	sor.u32 s21, s13;
	s13 =	smov.u32 s1;
	v2 =	vsub.f32 v2, v8;
	v3 =	vsub.f32 v3, v9;
	v8 =	vadd.s32 $0x30025795, v6  }
0x176: {  	v9 =	vxor.u32 v6, v10;
	[tilespmem:s21+$0x2080] =	vst v1;
	v1 =	vadd.s32 $0x1, v5;
	v10 =	vxor.u32 v10, v8  }
0x177: {  	[tilespmem:s21+$0x2000] =	vst v2;
	v2 =	vxor.u32 v5, v4;
	v5 =	vxor.u32 v1, v7;
	v4 =	vxor.u32 v1, v4  }
0x178: {  	v1 =	vand.u32 $0x7FFFF, v9;
	[tilespmem:s21+$0x2100] =	vst v3;
	v3 =	vxor.u32 v6, v5;
	v5 =	vxor.u32 v5, v8  }
.Ltmp4:
0x179: {  	s21 =	sand.u32 $0x7F0, s12;
	v7 =	vxor.u32 v6, v2;
	v6 =	vxor.u32 v6, v4;
	s12 =	smov.u32 s20;
	[tilespmem:s8+$0x6000] =	vst v1;
	v1 =	vand.u32 $0x7FFFF, v10;
	(pc) =	sbr.rel @p0 .LBB2_11-.Ltmp4, $4  }
0x17a: {  	v6 =	vand.u32 $0x7FFFF, v6;
	s8 =	smov.u32 s2;
	[tilespmem:s21+$0x6800] =	vst v1;
	v1 =	vand.u32 $0x7FFFF, v7;
	v7 =	vxor.u32 v8, v2  }
0x17b: {  	v2 =	vxor.u32 v8, v4;
	[tilespmem:s21+$0x7000] =	vst v1;
	v1 =	vand.u32 $0x7FFFF, v5  }
0x17c: {  	v4 =	vand.u32 $0x7FFFF, v3;
	[tilespmem:s21+$0x9000] =	vst v6  }
0x17d: {  	v3 =	vand.u32 $0x7FFFF, v7;
	[tilespmem:s21+$0x8000] =	vst v4  }
0x17e: {  	[tilespmem:s21+$0x7800] =	vst v3  }
0x17f: {  	[tilespmem:s21+$0x8800] =	vst v1;
	v1 =	vand.u32 $0x7FFFF, v2  }
0x180: {  	[tilespmem:s21+$0x9800] =	vst v1  }
0x181: {  	v1 =	vld [tilespmem:s8+$0x800]  }
0x182: {  	v2 =	vld [tilespmem:s8+$0x0]  }
0x183: {  	v3 =	vld [tilespmem:s8+$0x1000];
	_ =	sdelay $0x2  }
0x184: {  	v1 =	vmul.f32 v1, v0  }
0x185: {  	v2 =	vmul.f32 v2, v0  }
0x186: {  	v3 =	vmul.f32 v3, v0;
	v4 =	vtrunc.f32 v1  }
0x187: {  	v5 =	vtrunc.f32 v2;
	v4 =	vcvt.f32.s32 v4  }
0x188: {  	v6 =	vtrunc.f32 v3;
	v5 =	vcvt.f32.s32 v5  }
0x189: {  	v6 =	vcvt.f32.s32 v6;
	v7 =	vcvt.s32.f32 v4  }
0x18a: {  	v8 =	vcvt.s32.f32 v5  }
0x18b: {  	s1 =	sand.u32 $0x70, s12;
	v4 =	vmul.u32 $0x9E3779B1, v4;
	v9 =	vcvt.s32.f32 v6;
	v1 =	vsub.f32 v1, v7  }
0x18c: {  	s1 =	sor.u32 s1, s13;
	v6 =	vmul.u32 $0x30025795, v6;
	v61 =	vadd.s32 $0x1, v5;
	v2 =	vsub.f32 v2, v8  }
0x18d: {  	v59 =	vadd.s32 $0x9E3779B1, v4;
	v60 =	vxor.u32 v5, v4;
	v3 =	vsub.f32 v3, v9;
	[tilespmem:s1+$0x2080] =	vst v1  }
0x18e: {  	v10 =	vxor.u32 v6, v60;
	v7 =	vxor.u32 v61, v59;
	[tilespmem:s1+$0x2000] =	vst v2  }
0x18f: {  	v1 =	vadd.s32 $0x30025795, v6;
	[tilespmem:s1+$0x2100] =	vst v3;
	v3 =	vand.u32 $0x7FFFF, v10;
	v62 =	vxor.u32 v6, v7  }
0x190: {  	s28 =	sand.u32 $0x7F0, s12;
	v5 =	vxor.u32 v5, v59;
	v2 =	vxor.u32 v60, v1;
	[tilespmem:s8+$0x6000] =	vst v3;
	v63 =	vand.u32 $0x7FFFF, v62  }
0x191: {  	v4 =	vxor.u32 v61, v4;
	v3 =	vxor.u32 v6, v5;
	v2 =	vand.u32 $0x7FFFF, v2;
	[tilespmem:s28+$0x9000] =	vst v63  }
0x192: {  	[tilespmem:s28+$0x6800] =	vst v2;
	v2 =	vand.u32 $0x7FFFF, v3;
	v3 =	vxor.u32 v6, v4  }
0x193: {  	[tilespmem:s28+$0x7000] =	vst v2;
	v2 =	vxor.u32 v1, v5;
	v3 =	vand.u32 $0x7FFFF, v3  }
0x194: {  	v4 =	vxor.u32 v4, v1;
	v2 =	vand.u32 $0x7FFFF, v2;
	[tilespmem:s28+$0x8000] =	vst v3  }
0x195: {  	v1 =	vxor.u32 v1, v7;
	v3 =	vand.u32 $0x7FFFF, v4;
	[tilespmem:s28+$0x7800] =	vst v2  }
0x196: {  	v1 =	vand.u32 $0x7FFFF, v1;
	[tilespmem:s28+$0x8800] =	vst v3  }
0x197: {  	s29 =	simm.s32 $0x6000;
	s2 =	simm.s32 $0xE000;
	[tilespmem:s28+$0x9800] =	vst v1  }
0x198: {  	[tilespmem:s2], [sflag:$0x1] =	stream.indirect.gather [spmem:s22], $0x1, s29, s24, $0xb8;
	[tilespmem:$0x1F000] =	vst v63  }
.LBB2_13:
0x199: {  	_ =	swait.ge [sflag:s18], $0x4000  }
0x19a: {  	s14 =	simm.s32 $0x0;
	[sflag:s18] =	ssyncset.done $0x0  }
0x19b: {  	s1 =	sand.u32 $0x7F0, s14;
	[sflag:s18] =	ssyncadd.s32 $0xFFFFC000  }
0x19c: {  	v1 =	vld [tilespmem:s1+$0x12800]  }
0x19d: {  	v2 =	vld [tilespmem:s1+$0x15800]  }
0x19e: {  	s2 =	simm.s32 $0x12000;
	v3 =	vld [tilespmem:s1+$0x13800]  }
0x19f: {  	v4 =	vld [tilespmem:s2+$0x0]  }
0x1a0: {  	v5 =	vld [tilespmem:s1+$0x13000]  }
0x1a1: {  	v6 =	vld [tilespmem:s1+$0x15000];
	_ =	sdelay $0x1  }
0x1a2: {  	s29 =	simm.s32 $0x0;
	v8 =	vld [tilespmem:s1+$0x14000];
	v7 =	vand.u32 $0xFFFF0000, v1  }
0x1a3: {  	s20 =	sand.u32 $0x70, s14;
	s2 =	sand.u32 $0x3FFFFE00, s29;
	v1 =	vshll.u32 v1, $0x10;
	v9 =	vand.u32 $0xFFFF0000, v3;
	v10 =	vand.u32 $0xFFFF0000, v2  }
0x1a4: {  	v11 =	vld [tilespmem:s1+$0x14800];
	s2 =	sor.u32 s20, s2;
	v12 =	vshll.u32 v4, $0x10;
	v3 =	vshll.u32 v3, $0x10;
	v2 =	vshll.u32 v2, $0x10  }
0x1a5: {  	v13 =	vld [tilespmem:s2+$0x4100];
	v14 =	vand.u32 $0xFFFF0000, v4;
	v15 =	vshll.u32 v5, $0x10;
	v16 =	vshll.u32 v6, $0x10  }
0x1a6: {  	v4 =	vand.u32 $0xFFFF0000, v6;
	v17 =	vand.u32 $0xFFFF0000, v5;
	v1 =	vsub.f32 v1, v12  }
0x1a7: {  	v6 =	vshll.u32 v8, $0x10;
	v3 =	vsub.f32 v3, v15;
	v5 =	vsub.f32 v10, v4  }
0x1a8: {  	v8 =	vand.u32 $0xFFFF0000, v8;
	v2 =	vsub.f32 v2, v16;
	v9 =	vsub.f32 v9, v17  }
0x1a9: {  	v10 =	vshll.u32 v11, $0x10;
	v11 =	vand.u32 $0xFFFF0000, v11;
	v7 =	vsub.f32 v7, v14  }
0x1aa: {  	v10 =	vsub.f32 v10, v6;
	v1 =	vmul.f32 v1, v13;
	v5 =	vmul.f32 v5, v13  }
0x1ab: {  	v11 =	vsub.f32 v11, v8;
	v18 =	vmul.f32 v2, v13;
	v7 =	vmul.f32 v7, v13  }
0x1ac: {  	v63 =	vmul.f32 v3, v13;
	v10 =	vmul.f32 v10, v13;
	v2 =	vadd.f32 v12, v1  }
0x1ad: {  	v1 =	vmul.f32 v11, v13;
	v11 =	vadd.f32 v4, v5;
	v4 =	vld [tilespmem:s2+$0x4080];
	v16 =	vadd.f32 v16, v18  }
0x1ae: {  	v3 =	vadd.f32 v14, v7;
	v7 =	vmul.f32 v9, v13;
	v6 =	vadd.f32 v6, v10  }
0x1af: {  	v5 =	vadd.f32 v8, v1;
	v1 =	vadd.f32 v15, v63  }
0x1b0: {  	v8 =	vadd.f32 v17, v7;
	v10 =	vsub.f32 v16, v6  }
0x1b1: {  	s8 =	simm.s32 $0x10;
	v7 =	vsub.f32 v11, v5;
	v9 =	vsub.f32 v1, v2  }
0x1b2: {  	s13 =	simm.s32 $0x1;
	s15 =	simm.s32 $0x12010;
	s26 =	simm.s32 $0x2;
	v8 =	vsub.f32 v8, v3;
	v10 =	vmul.f32 v10, v4  }
0x1b3: {  	s25 =	simm.s32 $0x12010;
	s12 =	sand.u32 $0x70, s8;
	s21 =	sand.u32 $0x7F0, s8;
	v1 =	vld [tilespmem:s2+$0x4000];
	v7 =	vmul.f32 v7, v4;
	v9 =	vmul.f32 v9, v4  }
.LBB2_14:
0x1b4: {  	p0 =	sne.s32 s26, $0x7F;
	s8 =	sadd.s32 $0x10, s8;
	s15 =	sadd.s32 $0x10, s15;
	v4 =	vmul.f32 v8, v4  }
0x1b5: {  	s2 =	smov.u32 s26;
	s26 =	sadd.s32 $0x1, s26;
	s1 =	sand.u32 $0x70, s8;
	v2 =	vadd.f32 v9, v2;
	v6 =	vadd.f32 v10, v6  }
0x1b6: {  	v3 =	vadd.f32 v4, v3;
	v4 =	vadd.f32 v7, v5  }
0x1b7: {  	v5 =	vsub.f32 v6, v2  }
0x1b8: {  	v4 =	vsub.f32 v4, v3  }
0x1b9: {  	v5 =	vmul.f32 v5, v1  }
0x1ba: {  	s28 =	sshll.u32 s14, $0x5;
	s14 =	smov.u32 s13;
	s13 =	smov.u32 s2;
	v1 =	vmul.f32 v4, v1  }
0x1bb: {  	s2 =	sand.u32 $0x3FFFFF00, s28;
	v2 =	vadd.f32 v5, v2  }
0x1bc: {  	s2 =	sor.u32 s20, s2;
	s20 =	smov.u32 s12;
	s12 =	smov.u32 s1;
	v1 =	vadd.f32 v1, v3  }
0x1bd: {  	s1 =	sadd.s32 $0x16000, s2;
	[tilespmem:s2+$0x16000] =	vst v2  }
0x1be: {  	s2 =	sand.u32 $0x7F0, s8;
	[tilespmem:s1+$0x80] =	vst v1  }
0x1bf: {  	v1 =	vld [tilespmem:s21+$0x12800]  }
0x1c0: {  	v2 =	vld [tilespmem:s21+$0x15800]  }
0x1c1: {  	v3 =	vld [tilespmem:s21+$0x13800]  }
0x1c2: {  	v4 =	vld [tilespmem:s25+$0x0];
	s25 =	smov.u32 s15  }
0x1c3: {  	v5 =	vld [tilespmem:s21+$0x13000]  }
0x1c4: {  	s1 =	sshll.u32 s14, $0x6;
	v6 =	vand.u32 $0xFFFF0000, v1;
	v7 =	vld [tilespmem:s21+$0x15000]  }
0x1c5: {  	s1 =	sand.u32 $0x3FFFFE00, s1;
	v8 =	vshll.u32 v1, $0x10;
	v9 =	vld [tilespmem:s21+$0x14000]  }
0x1c6: {  	s1 =	sor.u32 s20, s1;
	v12 =	vand.u32 $0xFFFF0000, v2;
	v10 =	vand.u32 $0xFFFF0000, v3;
	v11 =	vld [tilespmem:s21+$0x14800];
	s21 =	smov.u32 s2  }
0x1c7: {  	v2 =	vshll.u32 v2, $0x10;
	v3 =	vshll.u32 v3, $0x10;
	v1 =	vld [tilespmem:s1+$0x4000];
	v13 =	vshll.u32 v4, $0x10  }
0x1c8: {  	v15 =	vand.u32 $0xFFFF0000, v4;
	v14 =	vld [tilespmem:s1+$0x4100];
	v16 =	vshll.u32 v5, $0x10;
	v4 =	vsub.f32 v8, v13  }
0x1c9: {  	v8 =	vshll.u32 v7, $0x10;
	v7 =	vand.u32 $0xFFFF0000, v7;
	v3 =	vsub.f32 v3, v16  }
0x1ca: {  	v17 =	vand.u32 $0xFFFF0000, v5;
	v18 =	vshll.u32 v9, $0x10;
	v5 =	vsub.f32 v12, v7  }
0x1cb: {  	v10 =	vsub.f32 v10, v17;
	v9 =	vand.u32 $0xFFFF0000, v9;
	v2 =	vsub.f32 v2, v8  }
0x1cc: {  	v6 =	vsub.f32 v6, v15;
	v12 =	vshll.u32 v11, $0x10;
	v11 =	vand.u32 $0xFFFF0000, v11  }
0x1cd: {  	v11 =	vsub.f32 v11, v9;
	v4 =	vmul.f32 v4, v14;
	v5 =	vmul.f32 v5, v14  }
0x1ce: {  	v12 =	vsub.f32 v12, v18;
	v19 =	vmul.f32 v2, v14;
	v6 =	vmul.f32 v6, v14  }
0x1cf: {  	v11 =	vmul.f32 v11, v14;
	v2 =	vadd.f32 v13, v4;
	v7 =	vadd.f32 v7, v5  }
0x1d0: {  	v12 =	vmul.f32 v12, v14;
	v13 =	vmul.f32 v3, v14;
	v8 =	vadd.f32 v8, v19;
	v4 =	vld [tilespmem:s1+$0x4080]  }
0x1d1: {  	v10 =	vmul.f32 v10, v14;
	v3 =	vadd.f32 v15, v6;
	v5 =	vadd.f32 v9, v11  }
.Ltmp5:
0x1d2: {  	v6 =	vadd.f32 v18, v12;
	v9 =	vadd.f32 v16, v13;
	(pc) =	sbr.rel @p0 .LBB2_14-.Ltmp5, $4  }
0x1d3: {  	v10 =	vadd.f32 v17, v10;
	v7 =	vsub.f32 v7, v5  }
0x1d4: {  	v11 =	vsub.f32 v8, v6;
	v9 =	vsub.f32 v9, v2  }
0x1d5: {  	v8 =	vsub.f32 v10, v3;
	v7 =	vmul.f32 v7, v4  }
0x1d6: {  	v9 =	vmul.f32 v9, v4;
	v10 =	vmul.f32 v11, v4  }
0x1d7: {  	v4 =	vmul.f32 v8, v4  }
0x1d8: {  	v2 =	vadd.f32 v9, v2;
	v6 =	vadd.f32 v10, v6  }
0x1d9: {  	v49 =	vadd.f32 v7, v5;
	v3 =	vadd.f32 v4, v3  }
0x1da: {  	v50 =	vsub.f32 v6, v2  }
0x1db: {  	v4 =	vsub.f32 v49, v3  }
0x1dc: {  	v5 =	vmul.f32 v50, v1  }
0x1dd: {  	s1 =	sshll.u32 s14, $0x5;
	v1 =	vmul.f32 v4, v1  }
0x1de: {  	s1 =	sand.u32 $0x3FFFFF00, s1;
	v2 =	vadd.f32 v5, v2  }
0x1df: {  	s1 =	sor.u32 s20, s1;
	v1 =	vadd.f32 v1, v3  }
0x1e0: {  	s2 =	sadd.s32 $0x16000, s1;
	[tilespmem:s1+$0x16000] =	vst v2  }
0x1e1: {  	[tilespmem:s2+$0x80] =	vst v1  }
0x1e2: {  	v1 =	vld [tilespmem:s21+$0x12800]  }
0x1e3: {  	v2 =	vld [tilespmem:s21+$0x15800]  }
0x1e4: {  	v3 =	vld [tilespmem:s21+$0x13800]  }
0x1e5: {  	v51 =	vld [tilespmem:s25+$0x0]  }
0x1e6: {  	v52 =	vld [tilespmem:s21+$0x13000]  }
0x1e7: {  	v53 =	vld [tilespmem:s21+$0x15000]  }
0x1e8: {  	s25 =	sshll.u32 s13, $0x6;
	v54 =	vld [tilespmem:s21+$0x14000]  }
0x1e9: {  	v57 =	vld [tilespmem:s21+$0x14800];
	s1 =	sand.u32 $0x3FFFFE00, s25;
	v55 =	vand.u32 $0xFFFF0000, v1;
	v1 =	vshll.u32 v1, $0x10;
	v56 =	vand.u32 $0xFFFF0000, v3  }
0x1ea: {  	s1 =	sor.u32 s12, s1;
	v11 =	vand.u32 $0xFFFF0000, v2;
	v12 =	vshll.u32 v51, $0x10;
	v3 =	vshll.u32 v3, $0x10  }
0x1eb: {  	v13 =	vld [tilespmem:s1+$0x4100];
	v2 =	vshll.u32 v2, $0x10;
	v4 =	vand.u32 $0xFFFF0000, v51;
	v14 =	vshll.u32 v52, $0x10  }
0x1ec: {  	v15 =	vshll.u32 v53, $0x10;
	v6 =	vand.u32 $0xFFFF0000, v53;
	v5 =	vand.u32 $0xFFFF0000, v52  }
0x1ed: {  	v16 =	vshll.u32 v54, $0x10;
	v7 =	vand.u32 $0xFFFF0000, v54;
	v1 =	vsub.f32 v1, v12  }
0x1ee: {  	v17 =	vshll.u32 v57, $0x10;
	v3 =	vsub.f32 v3, v14;
	v11 =	vsub.f32 v11, v6  }
0x1ef: {  	v10 =	vand.u32 $0xFFFF0000, v57;
	v2 =	vsub.f32 v2, v15;
	v8 =	vsub.f32 v55, v4  }
0x1f0: {  	v10 =	vsub.f32 v10, v7;
	v1 =	vmul.f32 v1, v13;
	v11 =	vmul.f32 v11, v13  }
0x1f1: {  	v17 =	vsub.f32 v17, v16;
	v2 =	vmul.f32 v2, v13;
	v8 =	vmul.f32 v8, v13  }
0x1f2: {  	v9 =	vsub.f32 v56, v5;
	v10 =	vmul.f32 v10, v13;
	v3 =	vmul.f32 v3, v13  }
0x1f3: {  	v58 =	vmul.f32 v17, v13;
	v1 =	vadd.f32 v12, v1;
	v6 =	vadd.f32 v6, v11  }
0x1f4: {  	v59 =	vld [tilespmem:s1+$0x4080];
	v60 =	vmul.f32 v9, v13;
	v2 =	vadd.f32 v15, v2;
	v4 =	vadd.f32 v4, v8  }
0x1f5: {  	v3 =	vadd.f32 v14, v3;
	v61 =	vadd.f32 v16, v58  }
0x1f6: {  	v7 =	vadd.f32 v7, v10;
	v5 =	vadd.f32 v5, v60  }
0x1f7: {  	v3 =	vsub.f32 v3, v1;
	v2 =	vsub.f32 v2, v61  }
0x1f8: {  	v6 =	vsub.f32 v6, v7;
	v5 =	vsub.f32 v5, v4  }
0x1f9: {  	v3 =	vmul.f32 v3, v59;
	v2 =	vmul.f32 v2, v59  }
0x1fa: {  	v62 =	vld [tilespmem:s1+$0x4000];
	v6 =	vmul.f32 v6, v59;
	v5 =	vmul.f32 v5, v59  }
0x1fb: {  	v1 =	vadd.f32 v3, v1;
	v2 =	vadd.f32 v2, v61  }
0x1fc: {  	v3 =	vadd.f32 v5, v4;
	v63 =	vadd.f32 v6, v7  }
0x1fd: {  	v2 =	vsub.f32 v2, v1  }
0x1fe: {  	v4 =	vsub.f32 v63, v3  }
0x1ff: {  	v2 =	vmul.f32 v2, v62  }
0x200: {  	s26 =	sshll.u32 s13, $0x5;
	v4 =	vmul.f32 v4, v62  }
0x201: {  	s1 =	sand.u32 $0x3FFFFF00, s26;
	v1 =	vadd.f32 v2, v1  }
0x202: {  	s10 =	sadd.s32 $0x1, s10;
	s1 =	sor.u32 s12, s1;
	v2 =	vadd.f32 v4, v3  }
0x203: {  	p0 =	sne.s32 s10, $0x8;
	s28 =	sadd.s32 $0x16000, s1;
	[tilespmem:s1+$0x16000] =	vst v1  }
.Ltmp6:
0x204: {  	s29 =	sadd.s32 s3, s11;
	[tilespmem:s28+$0x80] =	vst v2;
	(pc) =	sbr.rel @p0 .LBB2_5-.Ltmp6, $4  }
0x205: {  	[hbm4b:s29+s31] =	stream.strided.scatter [tilespmem:s4], [sflag:$0x3], $0x1000, s0, s31, $0x38;
	[tilespmem:$0x1F000] =	vst v63  }
0x206: {  	_ =	swait.ge [sflag:s19], $0x1000  }
0x207: {  	[sflag:s19] =	ssyncset.done $0x0  }
0x208: {  	[sflag:s19] =	ssyncadd.s32 $0xFFFFF000  }
0x209: {  	s16 =	rddreg [dreg:$0x10]  }
0x20a: {  	s16 =	sadd.s32 $0x1, s16  }
0x20b: {  	p0 =	sne.s32 s16, $0x10  }
.Ltmp7:
0x20c: {  	_ = 	snop;
	(pc) =	sbr.rel @p0 .LBB2_2-.Ltmp7, $2  }
0x20d: {  	_ =	sdelay $0x1  }
0x20e: {  	[bflag:$0x0] =	sbarrier.arrive $0xFFFF;
	_ =	sdelay $0x1  }
0x20f: {  	s2 =	rddreg [dreg:$0xf]  }
0x210: {  	s1 =	rddreg [dreg:$0xc];
	s2 =	sadd.s32 $0x1, s2  }
0x211: {  	p0 =	sne.s32 s2, s1  }
.Ltmp8:
0x212: {  	_ = 	snop;
	(pc) =	sbr.rel @p0 .LBB2_1-.Ltmp8, $1  }
0x213: {  	_ =	sdelay $0x3  }
0x214: {  	_ =	sfence.sel $0x180000  }
0x215: {  	[bflag:$0x0] =	sbarrier.arrive $0xFFFF  }
0x216: {  	_ =	strace $0x9000004A  }
0x217: {  	s0 =	stileid.u32;
	[bflag:$0x2] =	sbarrier.arrive $0xFFFF  }
0x218: {  	p0 =	sne.s32 s0, $0x0;
	s0 =	rddreg [dreg:$0x3]  }
0x219: {  	s0 =	sadd.s32 @!p0 $0x100000, s0  }
0x21a: {  	[sflag:s0] =	ssyncadd.tile.s32 @!p0 $0x1;
	_ =	shalt  }
.Lfunc_end2:
_tile_overlayer_lowered:
.L_overlay_start_2:
0x21b: {  	(tag) =	ssettag $0x2  }
0x21c: {  	s0 =	rddreg [dreg:$0x0];
	s2 =	stileid.u32  }
0x21d: {  	s1 =	rddreg [dreg:$0x1];
	p0 =	sne.s32 s2, $0x0  }
0x21e: {  	s3 =	rddreg [dreg:$0x2];
	[bflag:$0x3] =	sbarrier.arrive $0xFFFF;
	s2 =	simm.s32 @!p0 $0x1C03  }
0x21f: {  	[timem:s3], [sflag:s2] =	dma.local @!p0 [hbm:s0], s1  }
0x220: {  	s0 =	simm.s32 @!p0 $0x3  }
0x221: {  	_ =	swait.ge @!p0 [sflag:s0], s1  }
0x222: {  	s1 =	ssub.s32 @!p0 $0x0, s1;
	[sflag:s0] =	ssyncset.done @!p0 $0x0  }
0x223: {  	[sflag:s0] =	ssyncadd.s32 @!p0 s1  }
0x224: {  	[bflag:$0x3] =	sbarrier.arrive $0xFFFF  }
0x225: {  	_ =	shalt  }

// kernel: sparse-core-data-format-call.cloned.1.call-start
scs
called_computation_lowered:
.L_overlay_start_0:
0x0: {  	s1 =	sld [smem:$0x3FD9]  }
0x1: {  	s2 =	sld [smem:$0x3FFE];
	_ =	sdelay $0x1  }
0x2: {  	s3 =	srdreg.scid  }
0x3: {  	s0 =	sand.u32 $0x1, s3  }
0x4: {  	s17 =	sshll.u32 s0, $0xA;
	s1 =	sadd.s32 s2, s1  }
0x5: {  	s1 =	sadd.s32 s1, s17  }
0x6: {  	[smem:$0x3FC3] =	sst s1  }
0x7: {  	_ = 	snop  }
0x8: {  	(tm) =	ssettm $0x1  }
0x9: {  	s18 =	sld [smem:$0x3FFB];
	_ =	sdelay $0x3  }
0xa: {  	_ =	strace s18  }
0xb: {  	s1 =	sld [smem:$0x3FFC];
	_ =	sdelay $0x3  }
0xc: {  	_ =	strace s1  }
0xd: {  	s1 =	sld [smem:$0x3FFD];
	_ =	sdelay $0x3  }
0xe: {  	_ =	strace s1  }
0xf: {  	_ =	strace $0x8FFFFFFF  }
0x10: {  	s19 =	sld [smem:$0x3FDB];
	_ =	sdelay $0x1  }
0x11: {  	s20 =	simm.s32 $_scs_section_size  }
0x12: {  	s4 =	simm.s32 $_size__tile_overlayer_lowered;
	s5 =	simm.s32 $_tile_overlayer_lowered  }
0x13: {  	s23 =	simm.s32 $0x1BFF;
	s22 =	sshll.u32 s5, $0x1;
	s1 =	sadd.s32 s20, s19  }
0x14: {  	s6 =	simm.s32 $0x0;
	s21 =	sshll.u32 s4, $0x1;
	s4 =	sadd.s32 s22, s1  }
0x15: {  	[timem:s6], [sflag:s23] =	dma.local [hbm:s4], s21  }
0x16: {  	_ =	swait.ge [sflag:s23], s21  }
0x17: {  	s2 =	ssub.s32 $0x0, s21;
	[sflag:s23] =	ssyncset.done $0x0  }
0x18: {  	[sflag:s23] =	ssyncadd.s32 s2;
	_ =	sdelay $0x1  }
0x19: {  	s24 =	simm.s32 $0x1B8B  }
0x1a: {  	_ =	swait.ge [sflag:s24], $0x1  }
0x1b: {  	[sflag:s24] =	ssyncset.done $0x0  }
0x1c: {  	s26 =	simm.s32 $0x1B8E;
	s25 =	sld [smem:$0x3FFE];
	[sflag:s24] =	ssyncadd.s32 $0xFFFFFFFF  }
0x1d: {  	s27 =	simm.s32 $execute0_lowered;
	[smem:$0x3FD2] =	sst s26  }
0x1e: {  	s4 =	sshll.u32 s27, $0x1;
	_ =	strace $0x80000046;
	[dreg:$0x1] =	wrdreg $0xFFFFFFFF  }
0x1f: {  	s28 =	simm.s32 $_size_execute0_lowered;
	s1 =	sadd.s32 s1, s4;
	[dreg:$0x0] =	wrdreg $0x0  }
0x20: {  	s4 =	sshll.u32 s28, $0x1;
	[dreg:$0x2] =	wrdreg s1  }
0x21: {  	[dreg:$0x3] =	wrdreg s4  }
0x22: {  	[dreg:$0x4] =	wrdreg $0xC0  }
0x23: {  	_ =	task [dreg:s6], $0x5FFFF  }
0x24: {  	[dreg:$0x1] =	wrdreg $0xFFFFFFFF  }
0x25: {  	[dreg:$0x0] =	wrdreg $0x60  }
0x26: {  	[dreg:$0x2] =	wrdreg s25  }
0x27: {  	[dreg:$0x3] =	wrdreg $0x9  }
0x28: {  	_ =	task.clear_ibuf [dreg:s6], $0x4FFFF;
	_ =	strace $0x90000046  }
0x29: {  	s29 =	simm.s32 $0x9;
	_ =	strace $0x80000048  }
0x2a: {  	_ =	swait.ge [sflag:s29], $0x1  }
0x2b: {  	[sflag:s29] =	ssyncadd.s32 $0xFFFFFFFF  }
0x2c: {  	_ =	strace $0x90000048  }
0x2d: {  	_ =	sfence  }
0x2e: {  	s30 =	sld [smem:$0x0];
	_ =	sdelay $0x2  }
0x2f: {  	s31 =	sshll.u32 s3, $0xD;
	s3 =	sshrl.u32 s3, $0x2  }
0x30: {  	s2 =	sand.u32 $0x4000, s31;
	s1 =	sadd.s32 s3, s30  }
0x31: {  	s0 =	sor.u32 s2, s0;
	s1 =	sshll.u32 s1, $0x11  }
0x32: {  	s0 =	sor.u32 s1, s0  }
0x33: {  	s0 =	sadd.s32 $0x8F2B, s0  }
0x34: {  	[sflag:s0] =	ssyncadd.remote.s32 $0x1  }
0x35: {  	_ =	sfence.sel $0xFFFF  }
0x36: {  	[dreg:$0x0] =	wrdreg $0xFFFFFFFF;
	(pc) =	sbr.abs _section_cstart, $3  }
0x37: {  	[dreg:$0x1] =	wrdreg $0xFFFFFFFF  }
0x38: {  	_ =	task.clear_ibuf [dreg:s6], $0x2FFFF;
	_ =	strace $0x9FFFFFFF  }
0x39: {  	(tm) =	ssettm $0x7FFFFFFF  }
tec
execute0_lowered:
.L_overlay_start_1:
0x0: {  	(tag) =	ssettag $0x1  }
0x1: {  	s0 =	stileid.u32;
	s1 =	srdreg.scid  }
0x2: {  	s7 =	rddreg [dreg:$0x0];
	s31 =	simm.s32 $0x2;
	s15 =	simm.s32 $0x0  }
0x3: {  	s9 =	simm.s32 $0x800;
	s2 =	sshll.u32 s0, $0x3;
	s1 =	sshll.u32 s1, $0x7  }
0x4: {  	s10 =	simm.s32 $0x80000;
	s1 =	sor.u32 s2, s1;
	s2 =	sand.u32 $0x1, s0  }
0x5: {  	s11 =	simm.s32 $0x0;
	s1 =	sand.u32 $0xF0, s1;
	s4 =	ssub.s32 $0x2, s2  }
0x6: {  	s16 =	simm.s32 $0x0;
	s3 =	ssub.s32 $0x1000, s1;
	s6 =	sshrl.u32 s4, $0x1  }
0x7: {  	s4 =	sand.u32 $0x1, s4;
	s5 =	sand.u32 $0xF0, s3;
	s8 =	sshrl.u32 s3, $0x8  }
0x8: {  	s3 =	rddreg [dreg:$0x1];
	p0 =	sne.s32 s5, $0x0;
	s5 =	simm.s32 $0x1  }
.Ltmp0:
0x9: {  	s6 =	sadd.s32 s4, s6;
	s5 =	simm.s32 @!p0 $0x0;
	(pc) =	sbr.rel .LBB1_1-.Ltmp0, $4  }
0xa: {  	_ =	strace $0x80000047;
	s4 =	simm.s32 $0x1;
	s5 =	sadd.s32 s5, s8  }
0xb: {  	s14 =	simm.s32 $0x0;
	[sflag:s4] =	ssyncpa.u1 $0x0;
	s5 =	smul.u32 s6, s5  }
0xc: {  	s13 =	smov.u32 s2;
	s12 =	smov.u32 s1;
	[sflag:s31] =	ssyncpa.u1 $0x0  }
0xd: {  	s6 =	sadd.s32 $0x2400, s7;
	s7 =	sadd.s32 $0x102400, s7;
	s8 =	sadd.s32 $0x1, s5  }
.LBB1_7:
0xe: {  	s17 =	sadd.s32 $0x100, s12  }
0xf: {  	s15 =	sadd.s32 $0x2, s13;
	s19 =	smov.u32 s13;
	p1 =	sgt.s32 s17, $0xFFF  }
0x10: {  	s19 =	smov.u32 @p1 s15  }
0x11: {  	s17 =	smov.u32 @p1 s1;
	p1 =	sgt.s32 s19, $0x1  }
0x12: {  	s19 =	smov.u32 @p1 s2;
	p1 =	sne.s32 s14, s8  }
.Ltmp1:
0x13: {  	p0 =	slt.u32 s14, $0x2;
	(pc) =	sbr.rel @!p1 .LBB1_8-.Ltmp1, $4  }
0x14: {  	s18 =	simm.s32 @!p0 $0x2  }
0x15: {  	s16 =	smov.u32 s13;
	s11 =	sadd.s32 $0x4000, s11;
	_ =	swait.ge @!p0 [sflag:s18], $0x4000  }
0x16: {  	s15 =	smov.u32 s12;
	[sflag:s18] =	ssyncset.done @!p0 $0x0;
	s12 =	smov.u32 s17  }
0x17: {  	s14 =	sadd.s32 $0x1, s14;
	[sflag:s18] =	ssyncadd.s32 @!p0 $0xFFFFC000;
	s13 =	smov.u32 s19  }
.LBB1_1:
0x18: {  	p0 =	sge.u32 s14, s5  }
0x19: {  	s31 =	sadd.s32 $0xFFFFFFFF, s14;
	s17 =	sxor.u32 @!p0 $0xFFFFFFFF, s14;
	s18 =	sshll.u32 @!p0 s13, $0x13  }
0x1a: {  	s19 =	sshll.u32 @!p0 s12, $0x7;
	s17 =	sshll.u32 @!p0 s17, $0xE;
	s18 =	sadd.s32 @!p0 s6, s18  }
0x1b: {  	s17 =	sand.u32 @!p0 $0x4000, s17;
	s18 =	sadd.s32 @!p0 s19, s18;
	s19 =	simm.s32 @!p0 $0x0  }
0x1c: {  	[tilespmem:s17], [sflag:$0x1] =	stream.linear.gather @!p0 [hbm4b:s18+s19], $0x4000, $0x38;
	[tilespmem:$0x10000] =	vst v63  }
0x1d: {  	p0 =	sge.u32 s31, s5  }
.Ltmp2:
0x1e: {  	_ = 	snop;
	(pc) =	sbr.rel @p0 .LBB1_7-.Ltmp2, $1  }
0x1f: {  	_ =	sdelay $0x3  }
0x20: {  	s18 =	sand.u32 $0x4000, s11  }
0x21: {  	_ =	swait.ge [sflag:s4], $0x4000;
	s20 =	sshll.u32 s14, $0xE;
	s17 =	sor.u32 $0x8040, s18  }
0x22: {  	s19 =	sor.u32 $0x40, s18;
	[sflag:s4] =	ssyncset.done $0x0;
	s31 =	sand.u32 $0x4000, s20  }
0x23: {  	s20 =	simm.s32 $0x0;
	[sflag:s4] =	ssyncadd.s32 $0xFFFFC000;
	s18 =	sor.u32 $0x8000, s31  }
.LBB1_3:
0x24: {  	v0 =	vmov s19;
	_ =	sdelay $0x3  }
0x25: {  	s22 =	simm.s32 $0x0  }
0x26: {  	v6 =	vld.idx.msk [tilespmem:v0+s22+$0x30 ss:$0x1], $0xffff  }
0x27: {  	v7 =	vld.idx.msk [tilespmem:v0+s22+$0xFFFFFFC0 ss:$0x1], $0xffff  }
0x28: {  	v5 =	vld.idx.msk [tilespmem:v0+s22+$0xFFFFFFD0 ss:$0x1], $0xffff  }
0x29: {  	v4 =	vld.idx.msk [tilespmem:v0+s22+$0xFFFFFFE0 ss:$0x1], $0xffff  }
0x2a: {  	v3 =	vld.idx.msk [tilespmem:v0+s22+$0xFFFFFFF0 ss:$0x1], $0xffff  }
0x2b: {  	v1 =	vld.idx.msk [tilespmem:v0+s22+$0x0 ss:$0x1], $0xffff  }
0x2c: {  	v2 =	vld.idx.msk [tilespmem:v0+s22+$0x10 ss:$0x1], $0xffff;
	[tilespmem:s17+$0x30] =	vst v6  }
0x2d: {  	s21 =	simm.s32 $0x80;
	s23 =	simm.s32 $0x400;
	[tilespmem:s17+$0xFFFFFFC0] =	vst v7;
	v6 =	vld.idx.msk [tilespmem:v0+s22+$0x20 ss:$0x1], $0xffff;
	s22 =	smov.u32 s17  }
.LBB1_4:
0x2e: {  	p0 =	sne.s32 s23, $0xE00;
	v7 =	vld.idx.msk [tilespmem:v0+s21+$0x30 ss:$0x1], $0xffff;
	[tilespmem:s22+$0xFFFFFFD0] =	vst v5  }
0x2f: {  	v8 =	vld.idx.msk [tilespmem:v0+s21+$0xFFFFFFC0 ss:$0x1], $0xffff;
	[tilespmem:s22+$0xFFFFFFE0] =	vst v4  }
0x30: {  	v5 =	vld.idx.msk [tilespmem:v0+s21+$0xFFFFFFD0 ss:$0x1], $0xffff;
	[tilespmem:s22+$0xFFFFFFF0] =	vst v3  }
.Ltmp3:
0x31: {  	v4 =	vld.idx.msk [tilespmem:v0+s21+$0xFFFFFFE0 ss:$0x1], $0xffff;
	[tilespmem:s22+$0x0] =	vst v1;
	(pc) =	sbr.rel @p0 .LBB1_4-.Ltmp3, $4  }
0x32: {  	v3 =	vld.idx.msk [tilespmem:v0+s21+$0xFFFFFFF0 ss:$0x1], $0xffff;
	[tilespmem:s22+$0x10] =	vst v2  }
0x33: {  	v1 =	vld.idx.msk [tilespmem:v0+s21+$0x0 ss:$0x1], $0xffff;
	[tilespmem:s22+$0x20] =	vst v6;
	s22 =	sadd.s32 $0x800, s22  }
0x34: {  	v2 =	vld.idx.msk [tilespmem:v0+s21+$0x10 ss:$0x1], $0xffff;
	[tilespmem:s22+$0x30] =	vst v7  }
0x35: {  	[tilespmem:s22+$0xFFFFFFC0] =	vst v8;
	v6 =	vld.idx.msk [tilespmem:v0+s21+$0x20 ss:$0x1], $0xffff;
	s21 =	sshra.s32 s23, $0x2;
	s23 =	sadd.s32 $0x200, s23  }
0x36: {  	_ =	sdelay $0x2  }
0x37: {  	[tilespmem:s22+$0xFFFFFFD0] =	vst v5  }
0x38: {  	v56 =	vld.idx.msk [tilespmem:v0+s21+$0x30 ss:$0x1], $0xffff;
	[tilespmem:s22+$0xFFFFFFE0] =	vst v4  }
0x39: {  	v57 =	vld.idx.msk [tilespmem:v0+s21+$0xFFFFFFC0 ss:$0x1], $0xffff;
	[tilespmem:s22+$0xFFFFFFF0] =	vst v3  }
0x3a: {  	v58 =	vld.idx.msk [tilespmem:v0+s21+$0xFFFFFFD0 ss:$0x1], $0xffff;
	[tilespmem:s22+$0x0] =	vst v1  }
0x3b: {  	v59 =	vld.idx.msk [tilespmem:v0+s21+$0xFFFFFFE0 ss:$0x1], $0xffff;
	[tilespmem:s22+$0x10] =	vst v2  }
0x3c: {  	v60 =	vld.idx.msk [tilespmem:v0+s21+$0xFFFFFFF0 ss:$0x1], $0xffff;
	s31 =	sadd.s32 $0x800, s22;
	[tilespmem:s22+$0x20] =	vst v6  }
0x3d: {  	v61 =	vld.idx.msk [tilespmem:v0+s21+$0x0 ss:$0x1], $0xffff;
	[tilespmem:s31+$0x30] =	vst v56  }
0x3e: {  	v62 =	vld.idx.msk [tilespmem:v0+s21+$0x10 ss:$0x1], $0xffff;
	s20 =	sadd.s32 $0x1, s20;
	[tilespmem:s31+$0xFFFFFFC0] =	vst v57  }
0x3f: {  	v63 =	vld.idx.msk [tilespmem:v0+s21+$0x20 ss:$0x1], $0xffff;
	p0 =	sne.s32 s20, $0x10;
	[tilespmem:s31+$0xFFFFFFD0] =	vst v58  }
.Ltmp4:
0x40: {  	[tilespmem:s31+$0xFFFFFFE0] =	vst v59;
	(pc) =	sbr.rel @p0 .LBB1_3-.Ltmp4, $4  }
0x41: {  	[tilespmem:s31+$0xFFFFFFF0] =	vst v60  }
0x42: {  	[tilespmem:s31+$0x0] =	vst v61  }
0x43: {  	[tilespmem:s31+$0x10] =	vst v62  }
0x44: {  	s17 =	sadd.s32 $0x80, s17;
	s19 =	sadd.s32 $0x400, s19;
	[tilespmem:s31+$0x20] =	vst v63  }
.Ltmp5:
0x45: {  	(pc) =	sbr.rel .LBB1_7-.Ltmp5, $4  }
0x46: {  	s16 =	sshll.u32 s16, $0x13;
	s15 =	sshll.u32 s15, $0x4  }
0x47: {  	s15 =	sand.u32 $0xFFF0, s15;
	s16 =	sadd.s32 s7, s16  }
0x48: {  	s15 =	sadd.s32 s15, s16  }
0x49: {  	[hbm4b:s15+s9] =	stream.strided.scatter [tilespmem:s18], [sflag:$0x2], $0x4000, s10, s9, $0x38;
	[tilespmem:$0x10000] =	vst v63  }
.LBB1_8:
0x4a: {  	_ =	sfence.sel $0x180000  }
0x4b: {  	s1 =	simm.s32 $0x1;
	[bflag:$0x0] =	sbarrier.arrive $0xFFFF  }
0x4c: {  	s31 =	simm.s32 $0x2;
	[sflag:s1] =	ssyncpa.u1 $0x1  }
0x4d: {  	[sflag:s31] =	ssyncpa.u1 $0x1  }
0x4e: {  	p0 =	sne.s32 s0, $0x0;
	_ =	strace $0x90000047  }
0x4f: {  	s0 =	sadd.s32 @!p0 $0x100000, s3;
	[bflag:$0x2] =	sbarrier.arrive $0xFFFF  }
0x50: {  	[sflag:s0] =	ssyncadd.tile.s32 @!p0 $0x1;
	_ =	shalt  }
.Lfunc_end1:
_tile_overlayer_lowered:
.L_overlay_start_2:
0x51: {  	(tag) =	ssettag $0x2  }
0x52: {  	s0 =	rddreg [dreg:$0x0];
	s2 =	stileid.u32  }
0x53: {  	s1 =	rddreg [dreg:$0x1];
	p0 =	sne.s32 s2, $0x0  }
0x54: {  	s3 =	rddreg [dreg:$0x2];
	[bflag:$0x3] =	sbarrier.arrive $0xFFFF;
	s2 =	simm.s32 @!p0 $0x1C01  }
0x55: {  	[timem:s3], [sflag:s2] =	dma.local @!p0 [hbm:s0], s1  }
0x56: {  	s0 =	simm.s32 @!p0 $0x1  }
0x57: {  	_ =	swait.ge @!p0 [sflag:s0], s1  }
0x58: {  	s1 =	ssub.s32 @!p0 $0x0, s1;
	[sflag:s0] =	ssyncset.done @!p0 $0x0  }
0x59: {  	[sflag:s0] =	ssyncadd.s32 @!p0 s1  }
0x5a: {  	[bflag:$0x3] =	sbarrier.arrive $0xFFFF  }
0x5b: {  	_ =	shalt  }

</sc_bundles>
